<compile_context>
chip_gen: v7x
topology: tpu7x:2x2x1
jax: 0.10.2.dev20260603
libtpu: 0.0.44.dev20260713+nightly
codegen_flags: <defaults>
</compile_context>

<pallas_src>
import jax
import jax.numpy as jnp
from jax import lax
from jax.experimental import pallas as pl
from jax.experimental.pallas import tpu as pltpu
from jax.experimental.pallas import tpu_sc as plsc

M = 100000
D = 256
B = 16384
C = 100
CP = 128

NW = 32
RNG = 3128
CAP = 1024
PIECE = 128
NPIECE = CAP // PIECE
SRCN = 3136



def _sc_body(x_hbm, y_hbm, e_hbm, lg_hbm, idx_hbm,
             rbx, rby, ren, rlg,
             idx_v, src_v, rowl, jl, yv, ev, xbuf, lbuf, semg, sems):
    w = lax.axis_index("s") * 2 + lax.axis_index("c")
    base = jnp.where(w == NW - 1, M - RNG, w * RNG).astype(jnp.int32)
    lane = lax.iota(jnp.int32, 16)

    pltpu.sync_copy(idx_hbm, idx_v)

    def init_body(g, _):
        src_v[pl.ds(g * 16, 16)] = jnp.full((16,), -1, jnp.int32)
        return 0
    lax.fori_loop(0, SRCN // 16, init_body, 0)

    def scan_body(g, _):
        iv = idx_v[pl.ds(g * 16, 16)]
        loc = iv - base
        inr = (loc >= 0) & (loc < RNG)
        j = g * 16 + lane
        _, lastm = plsc.scan_count(loc, mask=inr)
        plsc.store_scatter(src_v, [loc], j, mask=lastm & inr)
        return 0
    lax.fori_loop(0, B // 16, scan_body, 0)

    def comp_body(g, carry):
        k, pmax = carry
        s = src_v[pl.ds(g * 16, 16)]
        m = s >= 0
        ones = jnp.where(m, 1, 0).astype(jnp.int32)
        pos = k + plsc.cumsum(ones) - 1
        m = m & (pos < CAP)
        rows = base + g * 16 + lane
        plsc.store_scatter(rowl, [pos >> 7, pos & 127], rows, mask=m)
        plsc.store_scatter(jl, [pos >> 7, pos & 127], s, mask=m)
        pair = jnp.where(m, rows * 16384 + s, -1)
        return k + jnp.sum(ones), jnp.maximum(pmax, jnp.max(pair))
    k, pmax = lax.fori_loop(0, SRCN // 16, comp_body,
                            (jnp.int32(0), jnp.int32(-1)))

    @pl.when(k > 0)
    def _():
        pad_row = pmax >> 14
        pad_j = pmax & 16383

        def pad_body(g, _):
            posv = g * 16 + lane
            m = posv >= k
            plsc.store_scatter(rowl, [posv >> 7, posv & 127],
                               jnp.full((16,), 1, jnp.int32) * pad_row, mask=m)
            plsc.store_scatter(jl, [posv >> 7, posv & 127],
                               jnp.full((16,), 1, jnp.int32) * pad_j, mask=m)
            return 0
        lax.fori_loop(k >> 4, CAP // 16, pad_body, 0)

        def upd_body(p, _):
            pltpu.make_async_copy(x_hbm.at[jl.at[p]], xbuf, semg).start()
            pltpu.make_async_copy(lg_hbm.at[jl.at[p]], lbuf, semg).start()
            pltpu.make_async_copy(y_hbm.at[jl.at[p]], yv, semg).start()
            pltpu.make_async_copy(e_hbm.at[jl.at[p]], ev, semg).start()
            pltpu.make_async_copy(x_hbm.at[jl.at[p]], xbuf, semg).wait()
            pltpu.make_async_copy(lg_hbm.at[jl.at[p]], lbuf, semg).wait()
            pltpu.make_async_copy(y_hbm.at[jl.at[p]], yv, semg).wait()
            pltpu.make_async_copy(e_hbm.at[jl.at[p]], ev, semg).wait()
            pltpu.make_async_copy(xbuf, rbx.at[rowl.at[p]], sems).start()
            pltpu.make_async_copy(lbuf, rlg.at[rowl.at[p]], sems).start()
            pltpu.make_async_copy(yv, rby.at[rowl.at[p]], sems).start()
            pltpu.make_async_copy(ev, ren.at[rowl.at[p]], sems).start()
            pltpu.make_async_copy(xbuf, rbx.at[rowl.at[p]], sems).wait()
            pltpu.make_async_copy(lbuf, rlg.at[rowl.at[p]], sems).wait()
            pltpu.make_async_copy(yv, rby.at[rowl.at[p]], sems).wait()
            pltpu.make_async_copy(ev, ren.at[rowl.at[p]], sems).wait()
            return 0
        lax.fori_loop(0, (k + PIECE - 1) >> 7, upd_body, 0)


_sc_update = pl.kernel(
    _sc_body,
    out_type=(),
    mesh=plsc.VectorSubcoreMesh(core_axis_name="c", subcore_axis_name="s"),
    compiler_params=pltpu.CompilerParams(needs_layout_passes=False,
                                         use_tc_tiling_on_sc=False),
    scratch_types=[
        pltpu.VMEM((B,), jnp.int32),
        pltpu.VMEM((SRCN,), jnp.int32),
        pltpu.VMEM((NPIECE, PIECE), jnp.int32),
        pltpu.VMEM((NPIECE, PIECE), jnp.int32),
        pltpu.VMEM((PIECE,), jnp.int32),
        pltpu.VMEM((PIECE,), jnp.float32),
        pltpu.VMEM((PIECE, D), jnp.float32),
        pltpu.VMEM((PIECE, CP), jnp.float32),
        pltpu.SemaphoreType.DMA,
        pltpu.SemaphoreType.DMA,
    ],
)



@jax.jit
def kernel(bx, by_buf, ents_buf, logits_buf, x, y, ents, logits, idx):
    xlgp = jnp.pad(logits, ((0, 0), (0, CP - C)))
    rbx = jax.new_ref(bx)
    rby = jax.new_ref(by_buf)
    ren = jax.new_ref(ents_buf)
    rlg = jax.new_ref(jnp.pad(logits_buf, ((0, 0), (0, CP - C))))
    _sc_update(x, y, ents, xlgp, idx, rbx, rby, ren, rlg)
    return rbx[...], rby[...], ren[...], rlg[...][:, :C]

# --- scband reference (transcript-rebuilt; emitter-appended) ---
"""Pipeline reference for scband-buffer-25383256719647 (READ-ONLY COPY).

The authoritative reference and input builder live on the scoring server;
editing this copy changes nothing except your own understanding.
"""

import jax, jax.numpy as jnp
import numpy as np

M = 100000
D = 256
B = 16384
C = 100

def setup_inputs(seed: int = 0) -> dict:
    key = jax.random.key(seed)
    ks = jax.random.split(key, 9)
    bx = jax.random.normal(ks[0], (M, D), dtype=jnp.float32)
    by_buf = jax.random.randint(ks[1], (M,), 0, C, dtype=jnp.int32)
    ents_buf = jax.random.uniform(ks[2], (M,), dtype=jnp.float32)
    logits_buf = jax.random.normal(ks[3], (M, C), dtype=jnp.float32)
    x = jax.random.normal(ks[4], (B, D), dtype=jnp.float32)
    y = jax.random.randint(ks[5], (B,), 0, C, dtype=jnp.int32)
    ents = jax.random.uniform(ks[6], (B,), dtype=jnp.float32)
    logits = jax.random.normal(ks[7], (B, C), dtype=jnp.float32)
    idx = jax.random.randint(ks[8], (B,), 0, M, dtype=jnp.int32)
    return {"bx": bx, "by_buf": by_buf, "ents_buf": ents_buf, "logits_buf": logits_buf,
            "x": x, "y": y, "ents": ents, "logits": logits, "idx": idx}

def reference(bx, by_buf, ents_buf, logits_buf, x, y, ents, logits, idx):
    # Steady-state (buffer full, place_left == 0) branch of Buffer.add_reservoir:
    # reservoir indices ~ Uniform[0, n_seen_so_far); only idx < buffer_size write.
    # jnp scatter with mode='drop' drops out-of-range updates, matching the
    # valid_indices masking in the torch code. With duplicate idx the last-writer
    # semantics match torch's nondeterministic index_put overwrite.
    new_bx = bx.at[idx].set(x, mode='drop')
    new_by = by_buf.at[idx].set(y, mode='drop')
    new_ents = ents_buf.at[idx].set(ents, mode='drop')
    new_logits = logits_buf.at[idx].set(logits, mode='drop')
    return (new_bx, new_by, new_ents, new_logits)

if __name__ == "__main__":
    import jax
    _d = setup_inputs()
    print(jax.jit(kernel)(*tuple(_d.values())))

</pallas_src>

<mosaic_0001>
#map = affine_map<(d0, d1) -> (0, 0)>
#map1 = affine_map<(d0, d1) -> (0)>
module attributes {stable_mosaic.version = 14 : i64} {
  func.func @new_body(%arg0: i32, %arg1: i32, %arg2: memref<16384x256xf32, #tpu.memory_space<hbm>>, %arg3: memref<16384xi32, #tpu.memory_space<hbm>>, %arg4: memref<16384xf32, #tpu.memory_space<hbm>>, %arg5: memref<16384x128xf32, #tpu.memory_space<hbm>>, %arg6: memref<16384xi32, #tpu.memory_space<hbm>>, %arg7: memref<100000x256xf32, #tpu.memory_space<hbm>>, %arg8: memref<100000xi32, #tpu.memory_space<hbm>>, %arg9: memref<100000xf32, #tpu.memory_space<hbm>>, %arg10: memref<100000x128xf32, #tpu.memory_space<hbm>>, %arg11: memref<100000x256xf32, #tpu.memory_space<hbm>>, %arg12: memref<100000xi32, #tpu.memory_space<hbm>>, %arg13: memref<100000xf32, #tpu.memory_space<hbm>>, %arg14: memref<100000x128xf32, #tpu.memory_space<hbm>>, %arg15: memref<16384xi32, #tpu.memory_space<vmem>>, %arg16: memref<3136xi32, #tpu.memory_space<vmem>>, %arg17: memref<8x128xi32, #tpu.memory_space<vmem>>, %arg18: memref<8x128xi32, #tpu.memory_space<vmem>>, %arg19: memref<128xi32, #tpu.memory_space<vmem>>, %arg20: memref<128xf32, #tpu.memory_space<vmem>>, %arg21: memref<128x256xf32, #tpu.memory_space<vmem>>, %arg22: memref<128x128xf32, #tpu.memory_space<vmem>>, %arg23: memref<!tpu.dma_semaphore, #tpu.memory_space<semaphore_mem>>, %arg24: memref<!tpu.dma_semaphore, #tpu.memory_space<semaphore_mem>>) attributes {dimension_semantics = [#tpu.dimension_semantics<core_parallel>, #tpu.dimension_semantics<subcore_parallel>], iteration_bounds = array<i64: 2, 16>, scalar_prefetch = 0 : i64, scratch_operands = 10 : i64, tpu.core_type = #tpu.core_type<sc_vector_subcore>, window_params = [{transform_indices = #map}, {transform_indices = #map1}, {transform_indices = #map1}, {transform_indices = #map}, {transform_indices = #map1}, {transform_indices = #map}, {transform_indices = #map1}, {transform_indices = #map1}, {transform_indices = #map}, {transform_indices = #map}, {transform_indices = #map1}, {transform_indices = #map1}, {transform_indices = #map}]} {
    %mul3A = arith.constant 2 : i32
    %mul3A_0 = arith.muli %arg1, %mul3A : i32
    %add3A = arith.addi %mul3A_0, %arg0 : i32
    %eq3A = arith.constant 31 : i32
    %eq3A_1 = arith.cmpi eq, %add3A, %eq3A : i32
    %mul3A_2 = arith.constant 3128 : i32
    %mul3A_3 = arith.muli %add3A, %mul3A_2 : i32
    %jit3A = arith.constant 96872 : i32
    %select_n3A = arith.select %eq3A_1, %jit3A, %mul3A_3 : i32
    %iota3A = tpu.iota {dimensions = array<i32: 0>} : vector<16xi32>
    "tpu.region"() ({
      %run_scoped3A = tpu.sem_alloc : memref<!tpu.dma_semaphore, #tpu.memory_space<semaphore_mem>>
      tpu.enqueue_dma source(%arg6 : memref<16384xi32, #tpu.memory_space<hbm>>) target(%arg15 : memref<16384xi32, #tpu.memory_space<vmem>>) target_semaphore(%run_scoped3A : memref<!tpu.dma_semaphore, #tpu.memory_space<semaphore_mem>>)
      tpu.wait_dma2 semaphore(%run_scoped3A : memref<!tpu.dma_semaphore, #tpu.memory_space<semaphore_mem>>) src(%arg6 : memref<16384xi32, #tpu.memory_space<hbm>>) dst(%arg15 : memref<16384xi32, #tpu.memory_space<vmem>>)
      tpu.yield
    }) : () -> ()
    %scan3A = arith.constant 0 : i32
    %scan3A_4 = arith.constant 0 : i32
    %scan3A_5 = arith.constant 196 : i32
    %scan3A_6 = arith.addi %scan3A_4, %scan3A_5 : i32
    %scan3A_7 = arith.constant 1 : i32
    %scan3A_8 = scf.for %scan3A_27 = %scan3A_4 to %scan3A_6 step %scan3A_7 iter_args(%scan3A_28 = %scan3A) -> (i32)  : i32 {
      %broadcast_in_dim3A = arith.constant -1 : i32
      %broadcast_in_dim3A_29 = vector.broadcast %broadcast_in_dim3A : i32 to vector<16xi32>
      %mul3A_30 = arith.constant 16 : i32
      %mul3A_31 = arith.muli %scan3A_27, %mul3A_30 : i32
      %swap3A = arith.index_cast %mul3A_31 : i32 to index
      %swap3A_32 = tpu.vector_load %arg16[%swap3A] {strides = array<i32>} : memref<3136xi32, #tpu.memory_space<vmem>>, vector<16xi32>,
      tpu.vector_store %arg16[%swap3A], %broadcast_in_dim3A_29 {strides = array<i32>} : memref<3136xi32, #tpu.memory_space<vmem>>, vector<16xi32>,
      %scan3A_33 = arith.constant 0 : i32
      scf.yield %scan3A_33 : i32
    }
    %scan3A_9 = arith.constant 196 : i32
    %scan3A_10 = arith.constant 0 : i32
    %scan3A_11 = arith.constant 0 : i32
    %scan3A_12 = arith.constant 1024 : i32
    %scan3A_13 = arith.addi %scan3A_11, %scan3A_12 : i32
    %scan3A_14 = arith.constant 1 : i32
    %scan3A_15 = scf.for %scan3A_27 = %scan3A_11 to %scan3A_13 step %scan3A_14 iter_args(%scan3A_28 = %scan3A_10) -> (i32)  : i32 {
      %mul3A_29 = arith.constant 16 : i32
      %mul3A_30 = arith.muli %scan3A_27, %mul3A_29 : i32
      %get3A = arith.index_cast %mul3A_30 : i32 to index
      %get3A_31 = tpu.vector_load %arg15[%get3A] {strides = array<i32>} : memref<16384xi32, #tpu.memory_space<vmem>>, vector<16xi32>,
      %sub3A = vector.broadcast %select_n3A : i32 to vector<16xi32>
      %sub3A_32 = arith.subi %get3A_31, %sub3A : vector<16xi32>
      %ge3A = arith.constant 0 : i32
      %ge3A_33 = vector.broadcast %ge3A : i32 to vector<16xi32>
      %ge3A_34 = arith.cmpi sge, %sub3A_32, %ge3A_33 : vector<16xi32>
      %lt3A = arith.constant 3128 : i32
      %lt3A_35 = vector.broadcast %lt3A : i32 to vector<16xi32>
      %lt3A_36 = arith.cmpi slt, %sub3A_32, %lt3A_35 : vector<16xi32>
      %and3A = arith.andi %ge3A_34, %lt3A_36 : vector<16xi1>
      %mul3A_37 = arith.constant 16 : i32
      %mul3A_38 = arith.muli %scan3A_27, %mul3A_37 : i32
      %add3A_39 = vector.broadcast %mul3A_38 : i32 to vector<16xi32>
      %add3A_40 = arith.addi %add3A_39, %iota3A : vector<16xi32>
      %unique3A, %unique3A_41 = tpu.scan_count mask(%and3A : vector<16xi1>) value(%sub3A_32 : vector<16xi32>) : vector<16xi1>, vector<16xi32>
      %and3A_42 = arith.andi %unique3A, %and3A : vector<16xi1>
      tpu.vector_store_idx %arg16[%sub3A_32], %add3A_40 masked %and3A_42 : memref<3136xi32, #tpu.memory_space<vmem>>[vector<16xi32>], vector<16xi32>, vector<16xi1>
      %scan3A_43 = arith.constant 0 : i32
      scf.yield %scan3A_43 : i32
    }
    %scan3A_16 = arith.constant 1024 : i32
    %scan3A_17 = arith.constant 0 : i32
    %scan3A_18 = arith.constant -1 : i32
    %scan3A_19 = arith.constant 0 : i32
    %scan3A_20 = arith.constant 196 : i32
    %scan3A_21 = arith.addi %scan3A_19, %scan3A_20 : i32
    %scan3A_22 = arith.constant 1 : i32
    %scan3A_23:2 = scf.for %scan3A_27 = %scan3A_19 to %scan3A_21 step %scan3A_22 iter_args(%scan3A_28 = %scan3A_17, %scan3A_29 = %scan3A_18) -> (i32, i32)  : i32 {
      %mul3A_30 = arith.constant 16 : i32
      %mul3A_31 = arith.muli %scan3A_27, %mul3A_30 : i32
      %get3A = arith.index_cast %mul3A_31 : i32 to index
      %get3A_32 = tpu.vector_load %arg16[%get3A] {strides = array<i32>} : memref<3136xi32, #tpu.memory_space<vmem>>, vector<16xi32>,
      %ge3A = arith.constant 0 : i32
      %ge3A_33 = vector.broadcast %ge3A : i32 to vector<16xi32>
      %ge3A_34 = arith.cmpi sge, %get3A_32, %ge3A_33 : vector<16xi32>
      %jit3A_35 = arith.constant 1 : i32
      %jit3A_36 = arith.constant 0 : i32
      %broadcast_in_dim3A = vector.broadcast %jit3A_35 : i32 to vector<16xi32>
      %broadcast_in_dim3A_37 = vector.broadcast %jit3A_36 : i32 to vector<16xi32>
      %select_n3A_38 = arith.select %ge3A_34, %broadcast_in_dim3A, %broadcast_in_dim3A_37 : vector<16xi1>, vector<16xi32>
      %broadcast_in_dim3A_39 = arith.constant true
      %broadcast_in_dim3A_40 = vector.broadcast %broadcast_in_dim3A_39 : i1 to vector<16xi1>
      %masked_cumsum3A = tpu.scan <sum>, %select_n3A_38 masked %broadcast_in_dim3A_40 : vector<16xi32>, vector<16xi1> -> vector<16xi32>
      %add3A_41 = vector.broadcast %scan3A_28 : i32 to vector<16xi32>
      %add3A_42 = arith.addi %add3A_41, %masked_cumsum3A : vector<16xi32>
      %sub3A = arith.constant 1 : i32
      %sub3A_43 = vector.broadcast %sub3A : i32 to vector<16xi32>
      %sub3A_44 = arith.subi %add3A_42, %sub3A_43 : vector<16xi32>
      %lt3A = arith.constant 1024 : i32
      %lt3A_45 = vector.broadcast %lt3A : i32 to vector<16xi32>
      %lt3A_46 = arith.cmpi slt, %sub3A_44, %lt3A_45 : vector<16xi32>
      %and3A = arith.andi %ge3A_34, %lt3A_46 : vector<16xi1>
      %mul3A_47 = arith.constant 16 : i32
      %mul3A_48 = arith.muli %scan3A_27, %mul3A_47 : i32
      %add3A_49 = arith.addi %select_n3A, %mul3A_48 : i32
      %add3A_50 = vector.broadcast %add3A_49 : i32 to vector<16xi32>
      %add3A_51 = arith.addi %add3A_50, %iota3A : vector<16xi32>
      %shift_right_arithmetic3A = arith.constant 7 : i32
      %shift_right_arithmetic3A_52 = vector.broadcast %shift_right_arithmetic3A : i32 to vector<16xi32>
      %shift_right_arithmetic3A_53 = arith.shrsi %sub3A_44, %shift_right_arithmetic3A_52 : vector<16xi32>
      %and3A_54 = arith.constant 127 : i32
      %and3A_55 = vector.broadcast %and3A_54 : i32 to vector<16xi32>
      %and3A_56 = arith.andi %sub3A_44, %and3A_55 : vector<16xi32>
      tpu.vector_store_idx %arg17[%shift_right_arithmetic3A_53, %and3A_56], %add3A_51 masked %and3A : memref<8x128xi32, #tpu.memory_space<vmem>>[vector<16xi32>, vector<16xi32>], vector<16xi32>, vector<16xi1>
      %shift_right_arithmetic3A_57 = arith.constant 7 : i32
      %shift_right_arithmetic3A_58 = vector.broadcast %shift_right_arithmetic3A_57 : i32 to vector<16xi32>
      %shift_right_arithmetic3A_59 = arith.shrsi %sub3A_44, %shift_right_arithmetic3A_58 : vector<16xi32>
      %and3A_60 = arith.constant 127 : i32
      %and3A_61 = vector.broadcast %and3A_60 : i32 to vector<16xi32>
      %and3A_62 = arith.andi %sub3A_44, %and3A_61 : vector<16xi32>
      tpu.vector_store_idx %arg18[%shift_right_arithmetic3A_59, %and3A_62], %get3A_32 masked %and3A : memref<8x128xi32, #tpu.memory_space<vmem>>[vector<16xi32>, vector<16xi32>], vector<16xi32>, vector<16xi1>
      %mul3A_63 = arith.constant 16384 : i32
      %mul3A_64 = vector.broadcast %mul3A_63 : i32 to vector<16xi32>
      %mul3A_65 = arith.muli %add3A_51, %mul3A_64 : vector<16xi32>
      %add3A_66 = arith.addi %mul3A_65, %get3A_32 : vector<16xi32>
      %jit3A_67 = arith.constant -1 : i32
      %broadcast_in_dim3A_68 = vector.broadcast %jit3A_67 : i32 to vector<16xi32>
      %select_n3A_69 = arith.select %and3A, %add3A_66, %broadcast_in_dim3A_68 : vector<16xi1>, vector<16xi32>
      %reduce_sum3A = arith.constant true
      %reduce_sum3A_70 = vector.broadcast %reduce_sum3A : i1 to vector<16xi1>
      %reduce_sum3A_71 = tpu.scan <sum>, %select_n3A_38 masked %reduce_sum3A_70 : vector<16xi32>, vector<16xi1> -> vector<16xi32>
      %reduce_sum3A_72 = vector.extract %reduce_sum3A_71[15] : i32 from vector<16xi32>
      %add3A_73 = arith.addi %scan3A_28, %reduce_sum3A_72 : i32
      %reduce_max3A = arith.constant true
      %reduce_max3A_74 = vector.broadcast %reduce_max3A : i1 to vector<16xi1>
      %reduce_max3A_75 = arith.constant -2147483648 : i32
      %reduce_max3A_76 = vector.broadcast %reduce_max3A_75 : i32 to vector<16xi32>
      %reduce_max3A_77 = arith.xori %select_n3A_69, %reduce_max3A_76 : vector<16xi32>
      %reduce_max3A_78 = tpu.scan <max>, %reduce_max3A_77 masked %reduce_max3A_74 : vector<16xi32>, vector<16xi1> -> vector<16xi32>
      %reduce_max3A_79 = arith.xori %reduce_max3A_78, %reduce_max3A_76 : vector<16xi32>
      %reduce_max3A_80 = vector.extract %reduce_max3A_79[15] : i32 from vector<16xi32>
      %max3A = arith.maxsi %scan3A_29, %reduce_max3A_80 : i32
      scf.yield %add3A_73, %max3A : i32, i32
    }
    %scan3A_24 = arith.constant 196 : i32
    %gt3A = arith.constant 0 : i32
    %gt3A_25 = arith.cmpi sgt, %scan3A_23#0, %gt3A : i32
    %convert_element_type3A = arith.extui %gt3A_25 : i1 to i32
    %cond3A = arith.constant 0 : i32
    %cond3A_26 = arith.cmpi ne, %convert_element_type3A, %cond3A : i32
    scf.if %cond3A_26 {
      %shift_right_arithmetic3A = arith.constant 14 : i32
      %shift_right_arithmetic3A_27 = arith.shrsi %scan3A_23#1, %shift_right_arithmetic3A : i32
      %and3A = arith.constant 16383 : i32
      %and3A_28 = arith.andi %scan3A_23#1, %and3A : i32
      %shift_right_arithmetic3A_29 = arith.constant 4 : i32
      %shift_right_arithmetic3A_30 = arith.shrsi %scan3A_23#0, %shift_right_arithmetic3A_29 : i32
      %while3A = arith.constant 64 : i32
      %while3A_31 = arith.constant 0 : i32
      %while3A_32 = arith.subi %while3A, %shift_right_arithmetic3A_30 : i32
      %while3A_33 = arith.addi %shift_right_arithmetic3A_30, %while3A_32 : i32
      %while3A_34 = arith.constant 1 : i32
      %while3A_35 = arith.divsi %while3A_32, %while3A_34 : i32
      %while3A_36 = arith.muli %while3A_35, %while3A_34 : i32
      %while3A_37 = arith.addi %shift_right_arithmetic3A_30, %while3A_36 : i32
      %while3A_38 = arith.constant 1 : i32
      %while3A_39 = scf.for %while3A_59 = %shift_right_arithmetic3A_30 to %while3A_37 step %while3A_38 iter_args(%while3A_60 = %while3A_31) -> (i32)  : i32 {
        %mul3A_61 = arith.constant 16 : i32
        %mul3A_62 = arith.muli %while3A_59, %mul3A_61 : i32
        %add3A_63 = vector.broadcast %mul3A_62 : i32 to vector<16xi32>
        %add3A_64 = arith.addi %add3A_63, %iota3A : vector<16xi32>
        %ge3A = vector.broadcast %scan3A_23#0 : i32 to vector<16xi32>
        %ge3A_65 = arith.cmpi sge, %add3A_64, %ge3A : vector<16xi32>
        %shift_right_arithmetic3A_66 = arith.constant 7 : i32
        %shift_right_arithmetic3A_67 = vector.broadcast %shift_right_arithmetic3A_66 : i32 to vector<16xi32>
        %shift_right_arithmetic3A_68 = arith.shrsi %add3A_64, %shift_right_arithmetic3A_67 : vector<16xi32>
        %and3A_69 = arith.constant 127 : i32
        %and3A_70 = vector.broadcast %and3A_69 : i32 to vector<16xi32>
        %and3A_71 = arith.andi %add3A_64, %and3A_70 : vector<16xi32>
        %broadcast_in_dim3A = arith.constant 1 : i32
        %broadcast_in_dim3A_72 = vector.broadcast %broadcast_in_dim3A : i32 to vector<16xi32>
        %mul3A_73 = vector.broadcast %shift_right_arithmetic3A_27 : i32 to vector<16xi32>
        %mul3A_74 = arith.muli %broadcast_in_dim3A_72, %mul3A_73 : vector<16xi32>
        tpu.vector_store_idx %arg17[%shift_right_arithmetic3A_68, %and3A_71], %mul3A_74 masked %ge3A_65 : memref<8x128xi32, #tpu.memory_space<vmem>>[vector<16xi32>, vector<16xi32>], vector<16xi32>, vector<16xi1>
        %shift_right_arithmetic3A_75 = arith.constant 7 : i32
        %shift_right_arithmetic3A_76 = vector.broadcast %shift_right_arithmetic3A_75 : i32 to vector<16xi32>
        %shift_right_arithmetic3A_77 = arith.shrsi %add3A_64, %shift_right_arithmetic3A_76 : vector<16xi32>
        %and3A_78 = arith.constant 127 : i32
        %and3A_79 = vector.broadcast %and3A_78 : i32 to vector<16xi32>
        %and3A_80 = arith.andi %add3A_64, %and3A_79 : vector<16xi32>
        %broadcast_in_dim3A_81 = arith.constant 1 : i32
        %broadcast_in_dim3A_82 = vector.broadcast %broadcast_in_dim3A_81 : i32 to vector<16xi32>
        %mul3A_83 = vector.broadcast %and3A_28 : i32 to vector<16xi32>
        %mul3A_84 = arith.muli %broadcast_in_dim3A_82, %mul3A_83 : vector<16xi32>
        tpu.vector_store_idx %arg18[%shift_right_arithmetic3A_77, %and3A_80], %mul3A_84 masked %ge3A_65 : memref<8x128xi32, #tpu.memory_space<vmem>>[vector<16xi32>, vector<16xi32>], vector<16xi32>, vector<16xi1>
        %while3A_85 = arith.constant 0 : i32
        scf.yield %while3A_85 : i32
      }
      %while3A_40 = arith.constant 1 : i32
      %while3A_41 = scf.for %while3A_59 = %while3A_37 to %while3A_33 step %while3A_40 iter_args(%while3A_60 = %while3A_39) -> (i32)  : i32 {
        %mul3A_61 = arith.constant 16 : i32
        %mul3A_62 = arith.muli %while3A_59, %mul3A_61 : i32
        %add3A_63 = vector.broadcast %mul3A_62 : i32 to vector<16xi32>
        %add3A_64 = arith.addi %add3A_63, %iota3A : vector<16xi32>
        %ge3A = vector.broadcast %scan3A_23#0 : i32 to vector<16xi32>
        %ge3A_65 = arith.cmpi sge, %add3A_64, %ge3A : vector<16xi32>
        %shift_right_arithmetic3A_66 = arith.constant 7 : i32
        %shift_right_arithmetic3A_67 = vector.broadcast %shift_right_arithmetic3A_66 : i32 to vector<16xi32>
        %shift_right_arithmetic3A_68 = arith.shrsi %add3A_64, %shift_right_arithmetic3A_67 : vector<16xi32>
        %and3A_69 = arith.constant 127 : i32
        %and3A_70 = vector.broadcast %and3A_69 : i32 to vector<16xi32>
        %and3A_71 = arith.andi %add3A_64, %and3A_70 : vector<16xi32>
        %broadcast_in_dim3A = arith.constant 1 : i32
        %broadcast_in_dim3A_72 = vector.broadcast %broadcast_in_dim3A : i32 to vector<16xi32>
        %mul3A_73 = vector.broadcast %shift_right_arithmetic3A_27 : i32 to vector<16xi32>
        %mul3A_74 = arith.muli %broadcast_in_dim3A_72, %mul3A_73 : vector<16xi32>
        tpu.vector_store_idx %arg17[%shift_right_arithmetic3A_68, %and3A_71], %mul3A_74 masked %ge3A_65 : memref<8x128xi32, #tpu.memory_space<vmem>>[vector<16xi32>, vector<16xi32>], vector<16xi32>, vector<16xi1>
        %shift_right_arithmetic3A_75 = arith.constant 7 : i32
        %shift_right_arithmetic3A_76 = vector.broadcast %shift_right_arithmetic3A_75 : i32 to vector<16xi32>
        %shift_right_arithmetic3A_77 = arith.shrsi %add3A_64, %shift_right_arithmetic3A_76 : vector<16xi32>
        %and3A_78 = arith.constant 127 : i32
        %and3A_79 = vector.broadcast %and3A_78 : i32 to vector<16xi32>
        %and3A_80 = arith.andi %add3A_64, %and3A_79 : vector<16xi32>
        %broadcast_in_dim3A_81 = arith.constant 1 : i32
        %broadcast_in_dim3A_82 = vector.broadcast %broadcast_in_dim3A_81 : i32 to vector<16xi32>
        %mul3A_83 = vector.broadcast %and3A_28 : i32 to vector<16xi32>
        %mul3A_84 = arith.muli %broadcast_in_dim3A_82, %mul3A_83 : vector<16xi32>
        tpu.vector_store_idx %arg18[%shift_right_arithmetic3A_77, %and3A_80], %mul3A_84 masked %ge3A_65 : memref<8x128xi32, #tpu.memory_space<vmem>>[vector<16xi32>, vector<16xi32>], vector<16xi32>, vector<16xi1>
        %while3A_85 = arith.constant 0 : i32
        scf.yield %while3A_85 : i32
      }
      %add3A_42 = arith.constant 128 : i32
      %add3A_43 = arith.addi %scan3A_23#0, %add3A_42 : i32
      %sub3A = arith.constant 1 : i32
      %sub3A_44 = arith.subi %add3A_43, %sub3A : i32
      %shift_right_arithmetic3A_45 = arith.constant 7 : i32
      %shift_right_arithmetic3A_46 = arith.shrsi %sub3A_44, %shift_right_arithmetic3A_45 : i32
      %while3A_47 = arith.constant 0 : i32
      %while3A_48 = arith.constant 0 : i32
      %while3A_49 = arith.subi %shift_right_arithmetic3A_46, %while3A_47 : i32
      %while3A_50 = arith.addi %while3A_47, %while3A_49 : i32
      %while3A_51 = arith.constant 1 : i32
      %while3A_52 = arith.divsi %while3A_49, %while3A_51 : i32
      %while3A_53 = arith.muli %while3A_52, %while3A_51 : i32
      %while3A_54 = arith.addi %while3A_47, %while3A_53 : i32
      %while3A_55 = arith.constant 1 : i32
      %while3A_56 = scf.for %while3A_59 = %while3A_47 to %while3A_54 step %while3A_55 iter_args(%while3A_60 = %while3A_48) -> (i32)  : i32 {
        %dma_start3A = arith.constant 0 : i32
        %dma_start3A_61 = tpu.memref_slice %arg18[%while3A_59, %dma_start3A] : memref<8x128xi32, #tpu.memory_space<vmem>> -> memref<1x128xi32, #tpu.memory_space<vmem>>
        %dma_start3A_62 = tpu.memref_squeeze %dma_start3A_61 : memref<1x128xi32, #tpu.memory_space<vmem>> -> memref<128xi32, #tpu.memory_space<vmem>>
        %dma_start3A_63 = arith.constant 0 : i32
        %dma_start3A_64 = arith.constant 0 : i32
        %dma_start3A_65 = tpu.memref_slice %arg2[%dma_start3A_63, %dma_start3A_64] : memref<16384x256xf32, #tpu.memory_space<hbm>> -> memref<16384x256xf32, #tpu.memory_space<hbm>>
        tpu.enqueue_indirect_dma source(%dma_start3A_65 : memref<16384x256xf32, #tpu.memory_space<hbm>>) target(%arg21 : memref<128x256xf32, #tpu.memory_space<vmem>>) offsets(%dma_start3A_62 : memref<128xi32, #tpu.memory_space<vmem>>) semaphore(%arg23 : memref<!tpu.dma_semaphore, #tpu.memory_space<semaphore_mem>>)
        %dma_start3A_66 = arith.constant 0 : i32
        %dma_start3A_67 = tpu.memref_slice %arg18[%while3A_59, %dma_start3A_66] : memref<8x128xi32, #tpu.memory_space<vmem>> -> memref<1x128xi32, #tpu.memory_space<vmem>>
        %dma_start3A_68 = tpu.memref_squeeze %dma_start3A_67 : memref<1x128xi32, #tpu.memory_space<vmem>> -> memref<128xi32, #tpu.memory_space<vmem>>
        %dma_start3A_69 = arith.constant 0 : i32
        %dma_start3A_70 = arith.constant 0 : i32
        %dma_start3A_71 = tpu.memref_slice %arg5[%dma_start3A_69, %dma_start3A_70] : memref<16384x128xf32, #tpu.memory_space<hbm>> -> memref<16384x128xf32, #tpu.memory_space<hbm>>
        tpu.enqueue_indirect_dma source(%dma_start3A_71 : memref<16384x128xf32, #tpu.memory_space<hbm>>) target(%arg22 : memref<128x128xf32, #tpu.memory_space<vmem>>) offsets(%dma_start3A_68 : memref<128xi32, #tpu.memory_space<vmem>>) semaphore(%arg23 : memref<!tpu.dma_semaphore, #tpu.memory_space<semaphore_mem>>)
        %dma_start3A_72 = arith.constant 0 : i32
        %dma_start3A_73 = tpu.memref_slice %arg18[%while3A_59, %dma_start3A_72] : memref<8x128xi32, #tpu.memory_space<vmem>> -> memref<1x128xi32, #tpu.memory_space<vmem>>
        %dma_start3A_74 = tpu.memref_squeeze %dma_start3A_73 : memref<1x128xi32, #tpu.memory_space<vmem>> -> memref<128xi32, #tpu.memory_space<vmem>>
        %dma_start3A_75 = arith.constant 0 : i32
        %dma_start3A_76 = tpu.memref_slice %arg3[%dma_start3A_75] : memref<16384xi32, #tpu.memory_space<hbm>> -> memref<16384xi32, #tpu.memory_space<hbm>>
        tpu.enqueue_indirect_dma source(%dma_start3A_76 : memref<16384xi32, #tpu.memory_space<hbm>>) target(%arg19 : memref<128xi32, #tpu.memory_space<vmem>>) offsets(%dma_start3A_74 : memref<128xi32, #tpu.memory_space<vmem>>) semaphore(%arg23 : memref<!tpu.dma_semaphore, #tpu.memory_space<semaphore_mem>>)
        %dma_start3A_77 = arith.constant 0 : i32
        %dma_start3A_78 = tpu.memref_slice %arg18[%while3A_59, %dma_start3A_77] : memref<8x128xi32, #tpu.memory_space<vmem>> -> memref<1x128xi32, #tpu.memory_space<vmem>>
        %dma_start3A_79 = tpu.memref_squeeze %dma_start3A_78 : memref<1x128xi32, #tpu.memory_space<vmem>> -> memref<128xi32, #tpu.memory_space<vmem>>
        %dma_start3A_80 = arith.constant 0 : i32
        %dma_start3A_81 = tpu.memref_slice %arg4[%dma_start3A_80] : memref<16384xf32, #tpu.memory_space<hbm>> -> memref<16384xf32, #tpu.memory_space<hbm>>
        tpu.enqueue_indirect_dma source(%dma_start3A_81 : memref<16384xf32, #tpu.memory_space<hbm>>) target(%arg20 : memref<128xf32, #tpu.memory_space<vmem>>) offsets(%dma_start3A_79 : memref<128xi32, #tpu.memory_space<vmem>>) semaphore(%arg23 : memref<!tpu.dma_semaphore, #tpu.memory_space<semaphore_mem>>)
        %dma_wait3A = arith.constant 0 : i32
        %dma_wait3A_82 = tpu.memref_slice %arg18[%while3A_59, %dma_wait3A] : memref<8x128xi32, #tpu.memory_space<vmem>> -> memref<1x128xi32, #tpu.memory_space<vmem>>
        %dma_wait3A_83 = tpu.memref_squeeze %dma_wait3A_82 : memref<1x128xi32, #tpu.memory_space<vmem>> -> memref<128xi32, #tpu.memory_space<vmem>>
        %dma_wait3A_84 = arith.constant 0 : i32
        %dma_wait3A_85 = arith.constant 0 : i32
        %dma_wait3A_86 = tpu.memref_slice %arg2[%dma_wait3A_84, %dma_wait3A_85] : memref<16384x256xf32, #tpu.memory_space<hbm>> -> memref<16384x256xf32, #tpu.memory_space<hbm>>
        tpu.wait_indirect_dma semaphore(%arg23 : memref<!tpu.dma_semaphore, #tpu.memory_space<semaphore_mem>>) src(%dma_wait3A_86 : memref<16384x256xf32, #tpu.memory_space<hbm>>) dst(%arg21 : memref<128x256xf32, #tpu.memory_space<vmem>>)
        %dma_wait3A_87 = arith.constant 0 : i32
        %dma_wait3A_88 = tpu.memref_slice %arg18[%while3A_59, %dma_wait3A_87] : memref<8x128xi32, #tpu.memory_space<vmem>> -> memref<1x128xi32, #tpu.memory_space<vmem>>
        %dma_wait3A_89 = tpu.memref_squeeze %dma_wait3A_88 : memref<1x128xi32, #tpu.memory_space<vmem>> -> memref<128xi32, #tpu.memory_space<vmem>>
        %dma_wait3A_90 = arith.constant 0 : i32
        %dma_wait3A_91 = arith.constant 0 : i32
        %dma_wait3A_92 = tpu.memref_slice %arg5[%dma_wait3A_90, %dma_wait3A_91] : memref<16384x128xf32, #tpu.memory_space<hbm>> -> memref<16384x128xf32, #tpu.memory_space<hbm>>
        tpu.wait_indirect_dma semaphore(%arg23 : memref<!tpu.dma_semaphore, #tpu.memory_space<semaphore_mem>>) src(%dma_wait3A_92 : memref<16384x128xf32, #tpu.memory_space<hbm>>) dst(%arg22 : memref<128x128xf32, #tpu.memory_space<vmem>>)
        %dma_wait3A_93 = arith.constant 0 : i32
        %dma_wait3A_94 = tpu.memref_slice %arg18[%while3A_59, %dma_wait3A_93] : memref<8x128xi32, #tpu.memory_space<vmem>> -> memref<1x128xi32, #tpu.memory_space<vmem>>
        %dma_wait3A_95 = tpu.memref_squeeze %dma_wait3A_94 : memref<1x128xi32, #tpu.memory_space<vmem>> -> memref<128xi32, #tpu.memory_space<vmem>>
        %dma_wait3A_96 = arith.constant 0 : i32
        %dma_wait3A_97 = tpu.memref_slice %arg3[%dma_wait3A_96] : memref<16384xi32, #tpu.memory_space<hbm>> -> memref<16384xi32, #tpu.memory_space<hbm>>
        tpu.wait_indirect_dma semaphore(%arg23 : memref<!tpu.dma_semaphore, #tpu.memory_space<semaphore_mem>>) src(%dma_wait3A_97 : memref<16384xi32, #tpu.memory_space<hbm>>) dst(%arg19 : memref<128xi32, #tpu.memory_space<vmem>>)
        %dma_wait3A_98 = arith.constant 0 : i32
        %dma_wait3A_99 = tpu.memref_slice %arg18[%while3A_59, %dma_wait3A_98] : memref<8x128xi32, #tpu.memory_space<vmem>> -> memref<1x128xi32, #tpu.memory_space<vmem>>
        %dma_wait3A_100 = tpu.memref_squeeze %dma_wait3A_99 : memref<1x128xi32, #tpu.memory_space<vmem>> -> memref<128xi32, #tpu.memory_space<vmem>>
        %dma_wait3A_101 = arith.constant 0 : i32
        %dma_wait3A_102 = tpu.memref_slice %arg4[%dma_wait3A_101] : memref<16384xf32, #tpu.memory_space<hbm>> -> memref<16384xf32, #tpu.memory_space<hbm>>
        tpu.wait_indirect_dma semaphore(%arg23 : memref<!tpu.dma_semaphore, #tpu.memory_space<semaphore_mem>>) src(%dma_wait3A_102 : memref<16384xf32, #tpu.memory_space<hbm>>) dst(%arg20 : memref<128xf32, #tpu.memory_space<vmem>>)
        %dma_start3A_103 = arith.constant 0 : i32
        %dma_start3A_104 = tpu.memref_slice %arg17[%while3A_59, %dma_start3A_103] : memref<8x128xi32, #tpu.memory_space<vmem>> -> memref<1x128xi32, #tpu.memory_space<vmem>>
        %dma_start3A_105 = tpu.memref_squeeze %dma_start3A_104 : memref<1x128xi32, #tpu.memory_space<vmem>> -> memref<128xi32, #tpu.memory_space<vmem>>
        %dma_start3A_106 = arith.constant 0 : i32
        %dma_start3A_107 = arith.constant 0 : i32
        %dma_start3A_108 = tpu.memref_slice %arg7[%dma_start3A_106, %dma_start3A_107] : memref<100000x256xf32, #tpu.memory_space<hbm>> -> memref<100000x256xf32, #tpu.memory_space<hbm>>
        tpu.enqueue_indirect_dma source(%arg21 : memref<128x256xf32, #tpu.memory_space<vmem>>) target(%dma_start3A_108 : memref<100000x256xf32, #tpu.memory_space<hbm>>) offsets(%dma_start3A_105 : memref<128xi32, #tpu.memory_space<vmem>>) semaphore(%arg24 : memref<!tpu.dma_semaphore, #tpu.memory_space<semaphore_mem>>)
        %dma_start3A_109 = arith.constant 0 : i32
        %dma_start3A_110 = tpu.memref_slice %arg17[%while3A_59, %dma_start3A_109] : memref<8x128xi32, #tpu.memory_space<vmem>> -> memref<1x128xi32, #tpu.memory_space<vmem>>
        %dma_start3A_111 = tpu.memref_squeeze %dma_start3A_110 : memref<1x128xi32, #tpu.memory_space<vmem>> -> memref<128xi32, #tpu.memory_space<vmem>>
        %dma_start3A_112 = arith.constant 0 : i32
        %dma_start3A_113 = arith.constant 0 : i32
        %dma_start3A_114 = tpu.memref_slice %arg10[%dma_start3A_112, %dma_start3A_113] : memref<100000x128xf32, #tpu.memory_space<hbm>> -> memref<100000x128xf32, #tpu.memory_space<hbm>>
        tpu.enqueue_indirect_dma source(%arg22 : memref<128x128xf32, #tpu.memory_space<vmem>>) target(%dma_start3A_114 : memref<100000x128xf32, #tpu.memory_space<hbm>>) offsets(%dma_start3A_111 : memref<128xi32, #tpu.memory_space<vmem>>) semaphore(%arg24 : memref<!tpu.dma_semaphore, #tpu.memory_space<semaphore_mem>>)
        %dma_start3A_115 = arith.constant 0 : i32
        %dma_start3A_116 = tpu.memref_slice %arg17[%while3A_59, %dma_start3A_115] : memref<8x128xi32, #tpu.memory_space<vmem>> -> memref<1x128xi32, #tpu.memory_space<vmem>>
        %dma_start3A_117 = tpu.memref_squeeze %dma_start3A_116 : memref<1x128xi32, #tpu.memory_space<vmem>> -> memref<128xi32, #tpu.memory_space<vmem>>
        %dma_start3A_118 = arith.constant 0 : i32
        %dma_start3A_119 = tpu.memref_slice %arg8[%dma_start3A_118] : memref<100000xi32, #tpu.memory_space<hbm>> -> memref<100000xi32, #tpu.memory_space<hbm>>
        tpu.enqueue_indirect_dma source(%arg19 : memref<128xi32, #tpu.memory_space<vmem>>) target(%dma_start3A_119 : memref<100000xi32, #tpu.memory_space<hbm>>) offsets(%dma_start3A_117 : memref<128xi32, #tpu.memory_space<vmem>>) semaphore(%arg24 : memref<!tpu.dma_semaphore, #tpu.memory_space<semaphore_mem>>)
        %dma_start3A_120 = arith.constant 0 : i32
        %dma_start3A_121 = tpu.memref_slice %arg17[%while3A_59, %dma_start3A_120] : memref<8x128xi32, #tpu.memory_space<vmem>> -> memref<1x128xi32, #tpu.memory_space<vmem>>
        %dma_start3A_122 = tpu.memref_squeeze %dma_start3A_121 : memref<1x128xi32, #tpu.memory_space<vmem>> -> memref<128xi32, #tpu.memory_space<vmem>>
        %dma_start3A_123 = arith.constant 0 : i32
        %dma_start3A_124 = tpu.memref_slice %arg9[%dma_start3A_123] : memref<100000xf32, #tpu.memory_space<hbm>> -> memref<100000xf32, #tpu.memory_space<hbm>>
        tpu.enqueue_indirect_dma source(%arg20 : memref<128xf32, #tpu.memory_space<vmem>>) target(%dma_start3A_124 : memref<100000xf32, #tpu.memory_space<hbm>>) offsets(%dma_start3A_122 : memref<128xi32, #tpu.memory_space<vmem>>) semaphore(%arg24 : memref<!tpu.dma_semaphore, #tpu.memory_space<semaphore_mem>>)
        %dma_wait3A_125 = arith.constant 0 : i32
        %dma_wait3A_126 = tpu.memref_slice %arg17[%while3A_59, %dma_wait3A_125] : memref<8x128xi32, #tpu.memory_space<vmem>> -> memref<1x128xi32, #tpu.memory_space<vmem>>
        %dma_wait3A_127 = tpu.memref_squeeze %dma_wait3A_126 : memref<1x128xi32, #tpu.memory_space<vmem>> -> memref<128xi32, #tpu.memory_space<vmem>>
        %dma_wait3A_128 = arith.constant 0 : i32
        %dma_wait3A_129 = arith.constant 0 : i32
        %dma_wait3A_130 = tpu.memref_slice %arg7[%dma_wait3A_128, %dma_wait3A_129] : memref<100000x256xf32, #tpu.memory_space<hbm>> -> memref<100000x256xf32, #tpu.memory_space<hbm>>
        tpu.wait_indirect_dma semaphore(%arg24 : memref<!tpu.dma_semaphore, #tpu.memory_space<semaphore_mem>>) src(%arg21 : memref<128x256xf32, #tpu.memory_space<vmem>>) dst(%dma_wait3A_130 : memref<100000x256xf32, #tpu.memory_space<hbm>>)
        %dma_wait3A_131 = arith.constant 0 : i32
        %dma_wait3A_132 = tpu.memref_slice %arg17[%while3A_59, %dma_wait3A_131] : memref<8x128xi32, #tpu.memory_space<vmem>> -> memref<1x128xi32, #tpu.memory_space<vmem>>
        %dma_wait3A_133 = tpu.memref_squeeze %dma_wait3A_132 : memref<1x128xi32, #tpu.memory_space<vmem>> -> memref<128xi32, #tpu.memory_space<vmem>>
        %dma_wait3A_134 = arith.constant 0 : i32
        %dma_wait3A_135 = arith.constant 0 : i32
        %dma_wait3A_136 = tpu.memref_slice %arg10[%dma_wait3A_134, %dma_wait3A_135] : memref<100000x128xf32, #tpu.memory_space<hbm>> -> memref<100000x128xf32, #tpu.memory_space<hbm>>
        tpu.wait_indirect_dma semaphore(%arg24 : memref<!tpu.dma_semaphore, #tpu.memory_space<semaphore_mem>>) src(%arg22 : memref<128x128xf32, #tpu.memory_space<vmem>>) dst(%dma_wait3A_136 : memref<100000x128xf32, #tpu.memory_space<hbm>>)
        %dma_wait3A_137 = arith.constant 0 : i32
        %dma_wait3A_138 = tpu.memref_slice %arg17[%while3A_59, %dma_wait3A_137] : memref<8x128xi32, #tpu.memory_space<vmem>> -> memref<1x128xi32, #tpu.memory_space<vmem>>
        %dma_wait3A_139 = tpu.memref_squeeze %dma_wait3A_138 : memref<1x128xi32, #tpu.memory_space<vmem>> -> memref<128xi32, #tpu.memory_space<vmem>>
        %dma_wait3A_140 = arith.constant 0 : i32
        %dma_wait3A_141 = tpu.memref_slice %arg8[%dma_wait3A_140] : memref<100000xi32, #tpu.memory_space<hbm>> -> memref<100000xi32, #tpu.memory_space<hbm>>
        tpu.wait_indirect_dma semaphore(%arg24 : memref<!tpu.dma_semaphore, #tpu.memory_space<semaphore_mem>>) src(%arg19 : memref<128xi32, #tpu.memory_space<vmem>>) dst(%dma_wait3A_141 : memref<100000xi32, #tpu.memory_space<hbm>>)
        %dma_wait3A_142 = arith.constant 0 : i32
        %dma_wait3A_143 = tpu.memref_slice %arg17[%while3A_59, %dma_wait3A_142] : memref<8x128xi32, #tpu.memory_space<vmem>> -> memref<1x128xi32, #tpu.memory_space<vmem>>
        %dma_wait3A_144 = tpu.memref_squeeze %dma_wait3A_143 : memref<1x128xi32, #tpu.memory_space<vmem>> -> memref<128xi32, #tpu.memory_space<vmem>>
        %dma_wait3A_145 = arith.constant 0 : i32
        %dma_wait3A_146 = tpu.memref_slice %arg9[%dma_wait3A_145] : memref<100000xf32, #tpu.memory_space<hbm>> -> memref<100000xf32, #tpu.memory_space<hbm>>
        tpu.wait_indirect_dma semaphore(%arg24 : memref<!tpu.dma_semaphore, #tpu.memory_space<semaphore_mem>>) src(%arg20 : memref<128xf32, #tpu.memory_space<vmem>>) dst(%dma_wait3A_146 : memref<100000xf32, #tpu.memory_space<hbm>>)
        %while3A_147 = arith.constant 0 : i32
        scf.yield %while3A_147 : i32
      }
      %while3A_57 = arith.constant 1 : i32
      %while3A_58 = scf.for %while3A_59 = %while3A_54 to %while3A_50 step %while3A_57 iter_args(%while3A_60 = %while3A_56) -> (i32)  : i32 {
        %dma_start3A = arith.constant 0 : i32
        %dma_start3A_61 = tpu.memref_slice %arg18[%while3A_59, %dma_start3A] : memref<8x128xi32, #tpu.memory_space<vmem>> -> memref<1x128xi32, #tpu.memory_space<vmem>>
        %dma_start3A_62 = tpu.memref_squeeze %dma_start3A_61 : memref<1x128xi32, #tpu.memory_space<vmem>> -> memref<128xi32, #tpu.memory_space<vmem>>
        %dma_start3A_63 = arith.constant 0 : i32
        %dma_start3A_64 = arith.constant 0 : i32
        %dma_start3A_65 = tpu.memref_slice %arg2[%dma_start3A_63, %dma_start3A_64] : memref<16384x256xf32, #tpu.memory_space<hbm>> -> memref<16384x256xf32, #tpu.memory_space<hbm>>
        tpu.enqueue_indirect_dma source(%dma_start3A_65 : memref<16384x256xf32, #tpu.memory_space<hbm>>) target(%arg21 : memref<128x256xf32, #tpu.memory_space<vmem>>) offsets(%dma_start3A_62 : memref<128xi32, #tpu.memory_space<vmem>>) semaphore(%arg23 : memref<!tpu.dma_semaphore, #tpu.memory_space<semaphore_mem>>)
        %dma_start3A_66 = arith.constant 0 : i32
        %dma_start3A_67 = tpu.memref_slice %arg18[%while3A_59, %dma_start3A_66] : memref<8x128xi32, #tpu.memory_space<vmem>> -> memref<1x128xi32, #tpu.memory_space<vmem>>
        %dma_start3A_68 = tpu.memref_squeeze %dma_start3A_67 : memref<1x128xi32, #tpu.memory_space<vmem>> -> memref<128xi32, #tpu.memory_space<vmem>>
        %dma_start3A_69 = arith.constant 0 : i32
        %dma_start3A_70 = arith.constant 0 : i32
        %dma_start3A_71 = tpu.memref_slice %arg5[%dma_start3A_69, %dma_start3A_70] : memref<16384x128xf32, #tpu.memory_space<hbm>> -> memref<16384x128xf32, #tpu.memory_space<hbm>>
        tpu.enqueue_indirect_dma source(%dma_start3A_71 : memref<16384x128xf32, #tpu.memory_space<hbm>>) target(%arg22 : memref<128x128xf32, #tpu.memory_space<vmem>>) offsets(%dma_start3A_68 : memref<128xi32, #tpu.memory_space<vmem>>) semaphore(%arg23 : memref<!tpu.dma_semaphore, #tpu.memory_space<semaphore_mem>>)
        %dma_start3A_72 = arith.constant 0 : i32
        %dma_start3A_73 = tpu.memref_slice %arg18[%while3A_59, %dma_start3A_72] : memref<8x128xi32, #tpu.memory_space<vmem>> -> memref<1x128xi32, #tpu.memory_space<vmem>>
        %dma_start3A_74 = tpu.memref_squeeze %dma_start3A_73 : memref<1x128xi32, #tpu.memory_space<vmem>> -> memref<128xi32, #tpu.memory_space<vmem>>
        %dma_start3A_75 = arith.constant 0 : i32
        %dma_start3A_76 = tpu.memref_slice %arg3[%dma_start3A_75] : memref<16384xi32, #tpu.memory_space<hbm>> -> memref<16384xi32, #tpu.memory_space<hbm>>
        tpu.enqueue_indirect_dma source(%dma_start3A_76 : memref<16384xi32, #tpu.memory_space<hbm>>) target(%arg19 : memref<128xi32, #tpu.memory_space<vmem>>) offsets(%dma_start3A_74 : memref<128xi32, #tpu.memory_space<vmem>>) semaphore(%arg23 : memref<!tpu.dma_semaphore, #tpu.memory_space<semaphore_mem>>)
        %dma_start3A_77 = arith.constant 0 : i32
        %dma_start3A_78 = tpu.memref_slice %arg18[%while3A_59, %dma_start3A_77] : memref<8x128xi32, #tpu.memory_space<vmem>> -> memref<1x128xi32, #tpu.memory_space<vmem>>
        %dma_start3A_79 = tpu.memref_squeeze %dma_start3A_78 : memref<1x128xi32, #tpu.memory_space<vmem>> -> memref<128xi32, #tpu.memory_space<vmem>>
        %dma_start3A_80 = arith.constant 0 : i32
        %dma_start3A_81 = tpu.memref_slice %arg4[%dma_start3A_80] : memref<16384xf32, #tpu.memory_space<hbm>> -> memref<16384xf32, #tpu.memory_space<hbm>>
        tpu.enqueue_indirect_dma source(%dma_start3A_81 : memref<16384xf32, #tpu.memory_space<hbm>>) target(%arg20 : memref<128xf32, #tpu.memory_space<vmem>>) offsets(%dma_start3A_79 : memref<128xi32, #tpu.memory_space<vmem>>) semaphore(%arg23 : memref<!tpu.dma_semaphore, #tpu.memory_space<semaphore_mem>>)
        %dma_wait3A = arith.constant 0 : i32
        %dma_wait3A_82 = tpu.memref_slice %arg18[%while3A_59, %dma_wait3A] : memref<8x128xi32, #tpu.memory_space<vmem>> -> memref<1x128xi32, #tpu.memory_space<vmem>>
        %dma_wait3A_83 = tpu.memref_squeeze %dma_wait3A_82 : memref<1x128xi32, #tpu.memory_space<vmem>> -> memref<128xi32, #tpu.memory_space<vmem>>
        %dma_wait3A_84 = arith.constant 0 : i32
        %dma_wait3A_85 = arith.constant 0 : i32
        %dma_wait3A_86 = tpu.memref_slice %arg2[%dma_wait3A_84, %dma_wait3A_85] : memref<16384x256xf32, #tpu.memory_space<hbm>> -> memref<16384x256xf32, #tpu.memory_space<hbm>>
        tpu.wait_indirect_dma semaphore(%arg23 : memref<!tpu.dma_semaphore, #tpu.memory_space<semaphore_mem>>) src(%dma_wait3A_86 : memref<16384x256xf32, #tpu.memory_space<hbm>>) dst(%arg21 : memref<128x256xf32, #tpu.memory_space<vmem>>)
        %dma_wait3A_87 = arith.constant 0 : i32
        %dma_wait3A_88 = tpu.memref_slice %arg18[%while3A_59, %dma_wait3A_87] : memref<8x128xi32, #tpu.memory_space<vmem>> -> memref<1x128xi32, #tpu.memory_space<vmem>>
        %dma_wait3A_89 = tpu.memref_squeeze %dma_wait3A_88 : memref<1x128xi32, #tpu.memory_space<vmem>> -> memref<128xi32, #tpu.memory_space<vmem>>
        %dma_wait3A_90 = arith.constant 0 : i32
        %dma_wait3A_91 = arith.constant 0 : i32
        %dma_wait3A_92 = tpu.memref_slice %arg5[%dma_wait3A_90, %dma_wait3A_91] : memref<16384x128xf32, #tpu.memory_space<hbm>> -> memref<16384x128xf32, #tpu.memory_space<hbm>>
        tpu.wait_indirect_dma semaphore(%arg23 : memref<!tpu.dma_semaphore, #tpu.memory_space<semaphore_mem>>) src(%dma_wait3A_92 : memref<16384x128xf32, #tpu.memory_space<hbm>>) dst(%arg22 : memref<128x128xf32, #tpu.memory_space<vmem>>)
        %dma_wait3A_93 = arith.constant 0 : i32
        %dma_wait3A_94 = tpu.memref_slice %arg18[%while3A_59, %dma_wait3A_93] : memref<8x128xi32, #tpu.memory_space<vmem>> -> memref<1x128xi32, #tpu.memory_space<vmem>>
        %dma_wait3A_95 = tpu.memref_squeeze %dma_wait3A_94 : memref<1x128xi32, #tpu.memory_space<vmem>> -> memref<128xi32, #tpu.memory_space<vmem>>
        %dma_wait3A_96 = arith.constant 0 : i32
        %dma_wait3A_97 = tpu.memref_slice %arg3[%dma_wait3A_96] : memref<16384xi32, #tpu.memory_space<hbm>> -> memref<16384xi32, #tpu.memory_space<hbm>>
        tpu.wait_indirect_dma semaphore(%arg23 : memref<!tpu.dma_semaphore, #tpu.memory_space<semaphore_mem>>) src(%dma_wait3A_97 : memref<16384xi32, #tpu.memory_space<hbm>>) dst(%arg19 : memref<128xi32, #tpu.memory_space<vmem>>)
        %dma_wait3A_98 = arith.constant 0 : i32
        %dma_wait3A_99 = tpu.memref_slice %arg18[%while3A_59, %dma_wait3A_98] : memref<8x128xi32, #tpu.memory_space<vmem>> -> memref<1x128xi32, #tpu.memory_space<vmem>>
        %dma_wait3A_100 = tpu.memref_squeeze %dma_wait3A_99 : memref<1x128xi32, #tpu.memory_space<vmem>> -> memref<128xi32, #tpu.memory_space<vmem>>
        %dma_wait3A_101 = arith.constant 0 : i32
        %dma_wait3A_102 = tpu.memref_slice %arg4[%dma_wait3A_101] : memref<16384xf32, #tpu.memory_space<hbm>> -> memref<16384xf32, #tpu.memory_space<hbm>>
        tpu.wait_indirect_dma semaphore(%arg23 : memref<!tpu.dma_semaphore, #tpu.memory_space<semaphore_mem>>) src(%dma_wait3A_102 : memref<16384xf32, #tpu.memory_space<hbm>>) dst(%arg20 : memref<128xf32, #tpu.memory_space<vmem>>)
        %dma_start3A_103 = arith.constant 0 : i32
        %dma_start3A_104 = tpu.memref_slice %arg17[%while3A_59, %dma_start3A_103] : memref<8x128xi32, #tpu.memory_space<vmem>> -> memref<1x128xi32, #tpu.memory_space<vmem>>
        %dma_start3A_105 = tpu.memref_squeeze %dma_start3A_104 : memref<1x128xi32, #tpu.memory_space<vmem>> -> memref<128xi32, #tpu.memory_space<vmem>>
        %dma_start3A_106 = arith.constant 0 : i32
        %dma_start3A_107 = arith.constant 0 : i32
        %dma_start3A_108 = tpu.memref_slice %arg7[%dma_start3A_106, %dma_start3A_107] : memref<100000x256xf32, #tpu.memory_space<hbm>> -> memref<100000x256xf32, #tpu.memory_space<hbm>>
        tpu.enqueue_indirect_dma source(%arg21 : memref<128x256xf32, #tpu.memory_space<vmem>>) target(%dma_start3A_108 : memref<100000x256xf32, #tpu.memory_space<hbm>>) offsets(%dma_start3A_105 : memref<128xi32, #tpu.memory_space<vmem>>) semaphore(%arg24 : memref<!tpu.dma_semaphore, #tpu.memory_space<semaphore_mem>>)
        %dma_start3A_109 = arith.constant 0 : i32
        %dma_start3A_110 = tpu.memref_slice %arg17[%while3A_59, %dma_start3A_109] : memref<8x128xi32, #tpu.memory_space<vmem>> -> memref<1x128xi32, #tpu.memory_space<vmem>>
        %dma_start3A_111 = tpu.memref_squeeze %dma_start3A_110 : memref<1x128xi32, #tpu.memory_space<vmem>> -> memref<128xi32, #tpu.memory_space<vmem>>
        %dma_start3A_112 = arith.constant 0 : i32
        %dma_start3A_113 = arith.constant 0 : i32
        %dma_start3A_114 = tpu.memref_slice %arg10[%dma_start3A_112, %dma_start3A_113] : memref<100000x128xf32, #tpu.memory_space<hbm>> -> memref<100000x128xf32, #tpu.memory_space<hbm>>
        tpu.enqueue_indirect_dma source(%arg22 : memref<128x128xf32, #tpu.memory_space<vmem>>) target(%dma_start3A_114 : memref<100000x128xf32, #tpu.memory_space<hbm>>) offsets(%dma_start3A_111 : memref<128xi32, #tpu.memory_space<vmem>>) semaphore(%arg24 : memref<!tpu.dma_semaphore, #tpu.memory_space<semaphore_mem>>)
        %dma_start3A_115 = arith.constant 0 : i32
        %dma_start3A_116 = tpu.memref_slice %arg17[%while3A_59, %dma_start3A_115] : memref<8x128xi32, #tpu.memory_space<vmem>> -> memref<1x128xi32, #tpu.memory_space<vmem>>
        %dma_start3A_117 = tpu.memref_squeeze %dma_start3A_116 : memref<1x128xi32, #tpu.memory_space<vmem>> -> memref<128xi32, #tpu.memory_space<vmem>>
        %dma_start3A_118 = arith.constant 0 : i32
        %dma_start3A_119 = tpu.memref_slice %arg8[%dma_start3A_118] : memref<100000xi32, #tpu.memory_space<hbm>> -> memref<100000xi32, #tpu.memory_space<hbm>>
        tpu.enqueue_indirect_dma source(%arg19 : memref<128xi32, #tpu.memory_space<vmem>>) target(%dma_start3A_119 : memref<100000xi32, #tpu.memory_space<hbm>>) offsets(%dma_start3A_117 : memref<128xi32, #tpu.memory_space<vmem>>) semaphore(%arg24 : memref<!tpu.dma_semaphore, #tpu.memory_space<semaphore_mem>>)
        %dma_start3A_120 = arith.constant 0 : i32
        %dma_start3A_121 = tpu.memref_slice %arg17[%while3A_59, %dma_start3A_120] : memref<8x128xi32, #tpu.memory_space<vmem>> -> memref<1x128xi32, #tpu.memory_space<vmem>>
        %dma_start3A_122 = tpu.memref_squeeze %dma_start3A_121 : memref<1x128xi32, #tpu.memory_space<vmem>> -> memref<128xi32, #tpu.memory_space<vmem>>
        %dma_start3A_123 = arith.constant 0 : i32
        %dma_start3A_124 = tpu.memref_slice %arg9[%dma_start3A_123] : memref<100000xf32, #tpu.memory_space<hbm>> -> memref<100000xf32, #tpu.memory_space<hbm>>
        tpu.enqueue_indirect_dma source(%arg20 : memref<128xf32, #tpu.memory_space<vmem>>) target(%dma_start3A_124 : memref<100000xf32, #tpu.memory_space<hbm>>) offsets(%dma_start3A_122 : memref<128xi32, #tpu.memory_space<vmem>>) semaphore(%arg24 : memref<!tpu.dma_semaphore, #tpu.memory_space<semaphore_mem>>)
        %dma_wait3A_125 = arith.constant 0 : i32
        %dma_wait3A_126 = tpu.memref_slice %arg17[%while3A_59, %dma_wait3A_125] : memref<8x128xi32, #tpu.memory_space<vmem>> -> memref<1x128xi32, #tpu.memory_space<vmem>>
        %dma_wait3A_127 = tpu.memref_squeeze %dma_wait3A_126 : memref<1x128xi32, #tpu.memory_space<vmem>> -> memref<128xi32, #tpu.memory_space<vmem>>
        %dma_wait3A_128 = arith.constant 0 : i32
        %dma_wait3A_129 = arith.constant 0 : i32
        %dma_wait3A_130 = tpu.memref_slice %arg7[%dma_wait3A_128, %dma_wait3A_129] : memref<100000x256xf32, #tpu.memory_space<hbm>> -> memref<100000x256xf32, #tpu.memory_space<hbm>>
        tpu.wait_indirect_dma semaphore(%arg24 : memref<!tpu.dma_semaphore, #tpu.memory_space<semaphore_mem>>) src(%arg21 : memref<128x256xf32, #tpu.memory_space<vmem>>) dst(%dma_wait3A_130 : memref<100000x256xf32, #tpu.memory_space<hbm>>)
        %dma_wait3A_131 = arith.constant 0 : i32
        %dma_wait3A_132 = tpu.memref_slice %arg17[%while3A_59, %dma_wait3A_131] : memref<8x128xi32, #tpu.memory_space<vmem>> -> memref<1x128xi32, #tpu.memory_space<vmem>>
        %dma_wait3A_133 = tpu.memref_squeeze %dma_wait3A_132 : memref<1x128xi32, #tpu.memory_space<vmem>> -> memref<128xi32, #tpu.memory_space<vmem>>
        %dma_wait3A_134 = arith.constant 0 : i32
        %dma_wait3A_135 = arith.constant 0 : i32
        %dma_wait3A_136 = tpu.memref_slice %arg10[%dma_wait3A_134, %dma_wait3A_135] : memref<100000x128xf32, #tpu.memory_space<hbm>> -> memref<100000x128xf32, #tpu.memory_space<hbm>>
        tpu.wait_indirect_dma semaphore(%arg24 : memref<!tpu.dma_semaphore, #tpu.memory_space<semaphore_mem>>) src(%arg22 : memref<128x128xf32, #tpu.memory_space<vmem>>) dst(%dma_wait3A_136 : memref<100000x128xf32, #tpu.memory_space<hbm>>)
        %dma_wait3A_137 = arith.constant 0 : i32
        %dma_wait3A_138 = tpu.memref_slice %arg17[%while3A_59, %dma_wait3A_137] : memref<8x128xi32, #tpu.memory_space<vmem>> -> memref<1x128xi32, #tpu.memory_space<vmem>>
        %dma_wait3A_139 = tpu.memref_squeeze %dma_wait3A_138 : memref<1x128xi32, #tpu.memory_space<vmem>> -> memref<128xi32, #tpu.memory_space<vmem>>
        %dma_wait3A_140 = arith.constant 0 : i32
        %dma_wait3A_141 = tpu.memref_slice %arg8[%dma_wait3A_140] : memref<100000xi32, #tpu.memory_space<hbm>> -> memref<100000xi32, #tpu.memory_space<hbm>>
        tpu.wait_indirect_dma semaphore(%arg24 : memref<!tpu.dma_semaphore, #tpu.memory_space<semaphore_mem>>) src(%arg19 : memref<128xi32, #tpu.memory_space<vmem>>) dst(%dma_wait3A_141 : memref<100000xi32, #tpu.memory_space<hbm>>)
        %dma_wait3A_142 = arith.constant 0 : i32
        %dma_wait3A_143 = tpu.memref_slice %arg17[%while3A_59, %dma_wait3A_142] : memref<8x128xi32, #tpu.memory_space<vmem>> -> memref<1x128xi32, #tpu.memory_space<vmem>>
        %dma_wait3A_144 = tpu.memref_squeeze %dma_wait3A_143 : memref<1x128xi32, #tpu.memory_space<vmem>> -> memref<128xi32, #tpu.memory_space<vmem>>
        %dma_wait3A_145 = arith.constant 0 : i32
        %dma_wait3A_146 = tpu.memref_slice %arg9[%dma_wait3A_145] : memref<100000xf32, #tpu.memory_space<hbm>> -> memref<100000xf32, #tpu.memory_space<hbm>>
        tpu.wait_indirect_dma semaphore(%arg24 : memref<!tpu.dma_semaphore, #tpu.memory_space<semaphore_mem>>) src(%arg20 : memref<128xf32, #tpu.memory_space<vmem>>) dst(%dma_wait3A_146 : memref<100000xf32, #tpu.memory_space<hbm>>)
        %while3A_147 = arith.constant 0 : i32
        scf.yield %while3A_147 : i32
      }
    } else {
    }
    return
  }
}

</mosaic_0001>

<sc_bundles>
// kernel: kernel.3.cloned.1.call-start
scs
__scs_entry_jumppad:
0x0: {  	(pc) =	sbr.rel $0x88, $3  }
0x1: {  	(tag) =	ssettag $0x0;
	lr =	simm.s32 $0x1  }
0x2: {  	[smem:$0x3F98] =	sst lr;
	_ =	strace $0xD0000000  }
0x3: {  	_ = 	snop  }
0x4: {  	_ = 	snop  }
0x5: {  	_ = 	snop  }
0x6: {  	_ = 	snop  }
0x7: {  	_ = 	snop  }
__scs_overlays_trampoline_lowered:
0x8: {  	[smem:$0x3FA7] =	sst s0  }
0x9: {  	[smem:$0x3FA8] =	sst s1  }
0xa: {  	[smem:$0x3FA9] =	sst s2  }
0xb: {  	[smem:$0x3FAA] =	sst s3  }
0xc: {  	[smem:$0x3FAB] =	sst s4  }
0xd: {  	[smem:$0x3FAC] =	sst s5  }
0xe: {  	[smem:$0x3FAD] =	sst s6  }
0xf: {  	[smem:$0x3FAE] =	sst s7  }
0x10: {  	[smem:$0x3FAF] =	sst s8  }
0x11: {  	[smem:$0x3FB0] =	sst s9;
	s0 =	simm.s32 @!p0 $0x0  }
0x12: {  	s1 =	sld [smem:$0x3F96];
	s0 =	simm.s32 @p0 $0x1  }
0x13: {  	[smem:$0x3FB1] =	sst s0;
	s0 =	simm.s32 @!p1 $0x0  }
0x14: {  	s2 =	sld [smem:$0x3F95];
	s0 =	simm.s32 @p1 $0x1  }
0x15: {  	[smem:$0x3FB2] =	sst s0;
	s0 =	simm.s32 @!p2 $0x0  }
0x16: {  	s3 =	sld [smem:$0x3FDB];
	s0 =	simm.s32 @p2 $0x1  }
0x17: {  	s4 =	simm.s32 $0x1BF5;
	[smem:$0x3FB4] =	sst s0  }
0x18: {  	s0 =	sld [smem:$0x3F97];
	_ =	swait.ge [sflag:s4], $0x0  }
0x19: {  	s7 =	sld [smem:$0x3F98]  }
0x1a: {  	s8 =	sadd.s32 $0xFFFFE003, lr  }
0x1b: {  	s9 =	sadd.s32 $0xFFFFFEF7, lr;
	s5 =	simm.s32 $0xFFFFFFFF;
	p2 =	slt.u32 s8, $0xFFFFF086  }
0x1c: {  	p1 =	slt.u32 s9, $0xF7A;
	s5 =	simm.s32 @!p2 $0x0  }
0x1d: {  	s5 =	simm.s32 @p1 $0x1;
	p0 =	seq.s32 s7, s2  }
0x1e: {  	s7 =	smul.u32 @!p0 $0xF7A, s2;
	p2 =	seq.s32 @!p0 s5, $0x0  }
0x1f: {  	s9 =	smul.u32 $0xF7A, s1;
	s8 =	simm.s32 @!p0 $0x1BF5;
	p2 =	por !p2, p0  }
0x20: {  	[sflag:s8] =	ssyncset.s32 @!p0 $0xFFFFF086;
	s6 =	sadd.s32 @!p0 s3, s7;
	s7 =	simm.s32 @!p0 $0x108  }
0x21: {  	s3 =	sadd.s32 s3, s9;
	s6 =	sadd.s32 @!p0 $0x88, s6;
	s7 =	simm.s32 @p2 $0x1082  }
0x22: {  	[simem:s7], [sflag:s8] =	dma.local @!p0 [hbm:s6], $0xF7A  }
0x23: {  	s9 =	sor.u32 $0xD0000000, s2;
	s6 =	simm.s32 $0x108;
	_ =	swait.ge @!p0 [sflag:s8], $0x0  }
0x24: {  	s3 =	sadd.s32 $0x88, s3;
	s6 =	simm.s32 @!p1 $0x1082;
	[sflag:s4] =	ssyncset.s32 $0xFFFFF086  }
0x25: {  	[simem:s6], [sflag:s4] =	dma.local [hbm:s3], $0xF7A  }
0x26: {  	[smem:$0x3F98] =	sst s1;
	(tag) =	ssettag s2;
	_ =	strace s9  }
0x27: {  	s1 =	sld [smem:$0x3FA8]  }
0x28: {  	s2 =	sld [smem:$0x3FA9]  }
0x29: {  	s4 =	sld [smem:$0x3FAB]  }
0x2a: {  	p0 =	seq.s32 s5, $0x0;
	s5 =	sld [smem:$0x3FAC]  }
0x2b: {  	s6 =	sld [smem:$0x3FAD]  }
0x2c: {  	s7 =	sld [smem:$0x3FAE]  }
0x2d: {  	s3 =	simm.s32 $0x108;
	s8 =	sld [smem:$0x3FAF]  }
0x2e: {  	s3 =	simm.s32 @!p0 $0x1082;
	s9 =	sld [smem:$0x3FB0]  }
0x2f: {  	lr =	sadd.s32 s0, s3;
	s0 =	sld [smem:$0x3FA7]  }
0x30: {  	s3 =	sld [smem:$0x3FAA]  }
0x31: {  	[smem:$0x3FB3] =	sst s10  }
0x32: {  	s10 =	sld [smem:$0x3FB1];
	_ =	sdelay $0x3  }
0x33: {  	p0 =	seq.s32 s10, $0x1;
	s10 =	sld [smem:$0x3FB3];
	_ =	sdelay $0x3  }
0x34: {  	[smem:$0x3FB3] =	sst s10  }
0x35: {  	s10 =	sld [smem:$0x3FB2];
	_ =	sdelay $0x3  }
0x36: {  	p1 =	seq.s32 s10, $0x1;
	s10 =	sld [smem:$0x3FB3];
	_ =	sdelay $0x3  }
0x37: {  	[smem:$0x3FB3] =	sst s10  }
0x38: {  	s10 =	sld [smem:$0x3FB4]  }
0x39: {  	_ = 	snop;
	(pc) =	sbr.ind lr, $3  }
0x3a: {  	_ = 	snop  }
0x3b: {  	_ = 	snop  }
0x3c: {  	p2 =	seq.s32 s10, $0x1;
	s10 =	sld [smem:$0x3FB3]  }
0x3d: {  	_ =	shalt  }
0x3e: {  	_ =	shalt  }
0x3f: {  	_ =	shalt  }
0x40: {  	_ =	shalt  }
0x41: {  	_ =	shalt  }
0x42: {  	_ =	shalt  }
0x43: {  	_ =	shalt  }
0x44: {  	_ =	shalt  }
0x45: {  	_ =	shalt  }
0x46: {  	_ =	shalt  }
0x47: {  	_ =	shalt  }
0x48: {  	_ =	shalt  }
0x49: {  	_ =	shalt  }
0x4a: {  	_ =	shalt  }
0x4b: {  	_ =	shalt  }
0x4c: {  	_ =	shalt  }
0x4d: {  	_ =	shalt  }
0x4e: {  	_ =	shalt  }
0x4f: {  	_ =	shalt  }
0x50: {  	_ =	shalt  }
0x51: {  	_ =	shalt  }
0x52: {  	_ =	shalt  }
0x53: {  	_ =	shalt  }
0x54: {  	_ =	shalt  }
0x55: {  	_ =	shalt  }
0x56: {  	_ =	shalt  }
0x57: {  	_ =	shalt  }
0x58: {  	_ =	shalt  }
0x59: {  	_ =	shalt  }
0x5a: {  	_ =	shalt  }
0x5b: {  	_ =	shalt  }
0x5c: {  	_ =	shalt  }
0x5d: {  	_ =	shalt  }
0x5e: {  	_ =	shalt  }
0x5f: {  	_ =	shalt  }
0x60: {  	_ =	shalt  }
0x61: {  	_ =	shalt  }
0x62: {  	_ =	shalt  }
0x63: {  	_ =	shalt  }
0x64: {  	_ =	shalt  }
0x65: {  	_ =	shalt  }
0x66: {  	_ =	shalt  }
0x67: {  	_ =	shalt  }
0x68: {  	_ =	shalt  }
0x69: {  	_ =	shalt  }
0x6a: {  	_ =	shalt  }
0x6b: {  	_ =	shalt  }
0x6c: {  	_ =	shalt  }
0x6d: {  	_ =	shalt  }
0x6e: {  	_ =	shalt  }
0x6f: {  	_ =	shalt  }
0x70: {  	_ =	shalt  }
0x71: {  	_ =	shalt  }
0x72: {  	_ =	shalt  }
0x73: {  	_ =	shalt  }
0x74: {  	_ =	shalt  }
0x75: {  	_ =	shalt  }
0x76: {  	_ =	shalt  }
0x77: {  	_ =	shalt  }
0x78: {  	_ =	shalt  }
0x79: {  	_ =	shalt  }
0x7a: {  	_ =	shalt  }
0x7b: {  	_ =	shalt  }
0x7c: {  	_ =	shalt  }
0x7d: {  	_ =	shalt  }
0x7e: {  	_ =	shalt  }
0x7f: {  	_ =	shalt  }
0x80: {  	_ =	shalt  }
0x81: {  	_ =	shalt  }
0x82: {  	_ =	shalt  }
0x83: {  	_ =	shalt  }
0x84: {  	_ =	shalt  }
0x85: {  	_ =	shalt  }
0x86: {  	_ =	shalt  }
0x87: {  	_ =	shalt  }
.Lfunc_end0:
.L_simem_size_0:
called_computation.2_lowered:
.L_overlay_start_0:
0x88: {  	s2 =	sld [smem:$0x3FD9]  }
0x89: {  	s3 =	sld [smem:$0x3FFE];
	_ =	sdelay $0x1  }
0x8a: {  	s1 =	srdreg.scid  }
0x8b: {  	s0 =	sand.u32 $0x1, s1  }
0x8c: {  	s14 =	sshll.u32 s0, $0xA;
	s2 =	sadd.s32 s3, s2  }
0x8d: {  	s2 =	sadd.s32 s2, s14  }
0x8e: {  	[smem:$0x3FBF] =	sst s2  }
0x8f: {  	_ = 	snop  }
0x90: {  	s2 =	sld [smem:$0x3FD0]  }
0x91: {  	s15 =	sld [smem:$0x3FC4]  }
0x92: {  	s4 =	sld [smem:$0x3FC3]  }
0x93: {  	s6 =	simm.s32 $0xA;
	s7 =	simm.s32 $0x10;
	s5 =	sld [smem:$0x3FC1]  }
0x94: {  	[smem:s7], [sflag:s6] =	dma.local [hbm:s2], $0x1  }
0x95: {  	_ =	swait.eq [sflag:s6], $0x1  }
0x96: {  	s16 =	sld [smem:$0x11];
	[sflag:s6] =	ssyncset.done $0x0  }
0x97: {  	s17 =	sld [smem:$0x12];
	[sflag:s6] =	ssyncadd.s32 $0xFFFFFFFF  }
0x98: {  	s18 =	sld [smem:$0x13];
	(tm) =	ssettm $0x1  }
0x99: {  	s8 =	sld [smem:$0x3FFB];
	_ =	sdelay $0x3  }
0x9a: {  	_ =	strace s8  }
0x9b: {  	s8 =	sld [smem:$0x3FFC];
	_ =	sdelay $0x3  }
0x9c: {  	_ =	strace s8  }
0x9d: {  	s8 =	sld [smem:$0x3FFD];
	_ =	sdelay $0x3  }
0x9e: {  	_ =	strace s8  }
0x9f: {  	_ =	strace $0x8FFFFFFF  }
0xa0: {  	s19 =	sld [smem:$0x3FDB];
	_ =	sdelay $0x1  }
0xa1: {  	s9 =	simm.s32 $_scs_section_size  }
0xa2: {  	s10 =	simm.s32 $_size__tile_overlayer_lowered;
	s11 =	simm.s32 $_tile_overlayer_lowered  }
0xa3: {  	s22 =	simm.s32 $0x1BFF;
	s21 =	sshll.u32 s11, $0x1;
	s8 =	sadd.s32 s9, s19  }
0xa4: {  	s12 =	simm.s32 $0x0;
	s20 =	sshll.u32 s10, $0x1;
	s10 =	sadd.s32 s21, s8  }
0xa5: {  	[timem:s12], [sflag:s22] =	dma.local [hbm:s10], s20  }
0xa6: {  	_ =	swait.ge [sflag:s22], s20  }
0xa7: {  	s9 =	ssub.s32 $0x0, s20;
	[sflag:s22] =	ssyncset.done $0x0  }
0xa8: {  	[sflag:s22] =	ssyncadd.s32 s9;
	_ =	sdelay $0x1  }
0xa9: {  	s23 =	simm.s32 $0x1B8B  }
0xaa: {  	_ =	swait.ge [sflag:s23], $0x1  }
0xab: {  	[sflag:s23] =	ssyncset.done $0x0  }
0xac: {  	s25 =	simm.s32 $0x1B8E;
	s24 =	sld [smem:$0x3FFE];
	[sflag:s23] =	ssyncadd.s32 $0xFFFFFFFF  }
0xad: {  	s26 =	simm.s32 $execute0_lowered;
	[smem:$0x3FD2] =	sst s25  }
0xae: {  	s10 =	sshll.u32 s26, $0x1;
	_ =	strace $0x80000049;
	[dreg:$0x1] =	wrdreg $0xFFFFFFFF  }
0xaf: {  	s28 =	simm.s32 $_size_execute0_lowered;
	s8 =	sadd.s32 s8, s10;
	[dreg:$0x0] =	wrdreg $0x0  }
0xb0: {  	s10 =	sshll.u32 s28, $0x1;
	[dreg:$0x2] =	wrdreg s8  }
0xb1: {  	[dreg:$0x3] =	wrdreg s10  }
0xb2: {  	[dreg:$0x4] =	wrdreg $0xC0  }
0xb3: {  	_ =	task [dreg:s12], $0x5FFFF  }
0xb4: {  	[dreg:$0x1] =	wrdreg $0xFFFFFFFF  }
0xb5: {  	[dreg:$0x0] =	wrdreg $0x60  }
0xb6: {  	[dreg:$0x2] =	wrdreg s18  }
0xb7: {  	[dreg:$0x3] =	wrdreg s15  }
0xb8: {  	[dreg:$0x4] =	wrdreg s4  }
0xb9: {  	[dreg:$0x5] =	wrdreg s24  }
0xba: {  	[dreg:$0x6] =	wrdreg s5  }
0xbb: {  	[dreg:$0x7] =	wrdreg s16  }
0xbc: {  	[dreg:$0x8] =	wrdreg s17  }
0xbd: {  	[dreg:$0x9] =	wrdreg $0x9  }
0xbe: {  	_ =	task.clear_ibuf [dreg:s12], $0xAFFFF;
	_ =	strace $0x90000049  }
0xbf: {  	s29 =	simm.s32 $0x9;
	_ =	strace $0x8000004B  }
0xc0: {  	_ =	swait.ge [sflag:s29], $0x1  }
0xc1: {  	[sflag:s29] =	ssyncadd.s32 $0xFFFFFFFF  }
0xc2: {  	_ =	strace $0x9000004B  }
0xc3: {  	_ =	sfence  }
0xc4: {  	s30 =	sld [smem:$0x0];
	_ =	sdelay $0x2  }
0xc5: {  	s31 =	sshll.u32 s1, $0xD;
	s1 =	sshrl.u32 s1, $0x2  }
0xc6: {  	s3 =	sand.u32 $0x4000, s31;
	s1 =	sadd.s32 s1, s30  }
0xc7: {  	s0 =	sor.u32 s3, s0;
	s1 =	sshll.u32 s1, $0x11  }
0xc8: {  	s0 =	sor.u32 s1, s0  }
0xc9: {  	s0 =	sadd.s32 $0x8F2B, s0  }
0xca: {  	[sflag:s0] =	ssyncadd.remote.s32 $0x1  }
0xcb: {  	_ =	sfence.sel $0xFFFF  }
0xcc: {  	[dreg:$0x0] =	wrdreg $0xFFFFFFFF;
	(pc) =	sbr.abs _section_cstart, $3  }
0xcd: {  	[dreg:$0x1] =	wrdreg $0xFFFFFFFF  }
0xce: {  	_ =	task.clear_ibuf [dreg:s12], $0x2FFFF;
	_ =	strace $0x9FFFFFFF  }
0xcf: {  	(tm) =	ssettm $0x7FFFFFFF  }
tec
execute0_lowered:
.L_overlay_start_1:
0x0: {  	(tag) =	ssettag $0x1  }
0x1: {  	s0 =	rddreg [dreg:$0x0]  }
0x2: {  	s2 =	rddreg [dreg:$0x1]  }
0x3: {  	s3 =	rddreg [dreg:$0x2]  }
0x4: {  	s11 =	rddreg [dreg:$0x3]  }
0x5: {  	s4 =	rddreg [dreg:$0x4]  }
0x6: {  	s6 =	rddreg [dreg:$0x5]  }
0x7: {  	s7 =	rddreg [dreg:$0x6]  }
0x8: {  	s8 =	srdreg.scid;
	s5 =	stileid.u32;
	_ =	strace $0x8000004A  }
0x9: {  	s15 =	simm.s32 $0x4000;
	s16 =	simm.s32 $0x4C40;
	s17 =	simm.s32 $0x5040  }
0xa: {  	s18 =	simm.s32 $0x80;
	s19 =	simm.s32 $0x5540;
	s20 =	simm.s32 $0xD540  }
0xb: {  	s21 =	simm.s32 $0x5440;
	s22 =	simm.s32 $0x54C0;
	s23 =	simm.s32 $0x1  }
0xc: {  	s24 =	simm.s32 $0x2;
	s9 =	sand.u32 $0x1, s8;
	s10 =	sshll.u32 s5, $0x1  }
.Ltmp0:
0xd: {  	s25 =	simm.s32 $0x0;
	s13 =	sor.u32 s9, s10;
	(pc) =	sbr.rel .LBB2_1-.Ltmp0, $4  }
0xe: {  	s8 =	sadd.s32 $0x30E800, s11;
	s12 =	ssub.s32 $0x2, s9;
	s10 =	smul.u32 $0xC38, s13  }
0xf: {  	v0 =	vlaneseq.u32;
	s9 =	sadd.s32 $0x1400, s11;
	s14 =	sshrl.u32 s12, $0x1;
	p0 =	seq.s32 s13, $0x1F  }
0x10: {  	v2 =	vimm.s32 $0xFFFFFFFF;
	v3 =	vimm.s32 $0x0;
	v4 =	vshrl.u32 v0, $0x3;
	s11 =	sadd.s32 $0x34E800, s11;
	s12 =	ssub.s32 s12, s14;
	s10 =	simm.s32 @p0 $0x17A68  }
0x11: {  	v5 =	vand.u32 $0x7, v0;
	v4 =	vmul.u32 $0x8, v4;
	s13 =	simm.s32 $0x0;
	s14 =	simm.s32 $0x3;
	s12 =	smax.u32 s12, $0x1;
	v1 =	vmov s10  }
.LBB2_15:
0x12: {  	[sflag:s24] =	ssyncadd.s32 $0xFFFFFF80  }
.LBB2_16:
0x13: {  	s25 =	sadd.s32 $0x1, s25  }
0x14: {  	p0 =	sne.s32 s25, s12  }
.Ltmp1:
0x15: {  	_ = 	snop;
	(pc) =	sbr.rel @!p0 .LBB2_17-.Ltmp1, $1  }
0x16: {  	_ =	sdelay $0x3  }
.LBB2_1:
0x17: {  	[tilespmem:s13], [sflag:$0x3] =	stream.linear.gather [hbm4b:s4+s13], $0x4000, $0x38;
	[tilespmem:$0x11540] =	vst v63  }
0x18: {  	_ =	swait.ge [sflag:s14], $0x4000  }
0x19: {  	[sflag:s14] =	ssyncset.done $0x0  }
0x1a: {  	s26 =	simm.s32 $0x40;
	s28 =	simm.s32 $0x0;
	[sflag:s14] =	ssyncadd.s32 $0xFFFFC000  }
.LBB2_2:
0x1b: {  	p0 =	sne.s32 s26, $0x30C0;
	[tilespmem:s28+$0x4000] =	vst v2;
	s28 =	smov.u32 s26;
	s26 =	sadd.s32 $0x40, s26  }
.Ltmp2:
0x1c: {  	(pc) =	sbr.rel @p0 .LBB2_2-.Ltmp2, $2  }
0x1d: {  	_ =	sdelay $0x2  }
0x1e: {  	s28 =	sshra.s32 s28, $0x2  }
0x1f: {  	[tilespmem:s28+$0x4000] =	vst v2;
	s26 =	simm.s32 $0x0;
	s28 =	simm.s32 $0x0;
	s29 =	simm.s32 $0x0  }
.LBB2_4:
0x20: {  	v6 =	vld [tilespmem:s28+$0x0];
	_ =	sdelay $0x4  }
0x21: {  	v7 =	vsub.s32 v6, v1  }
0x22: {  	vm0 =	vlt.u32 v7, $0xC38  }
0x23: {  	(xrf1) =	vunique.msk.u32 vm0, v7;
	_ =	sdelay $0xd  }
0x24: {  	_, v8, vm1 =	vpop (xrf1)  }
0x25: {  	v6 =	vand.u32 $0x7, v6;
	v7 =	vand.u32 $0xFFFFFFF8, v7;
	vm0 =	vmand vm0, vm1  }
0x26: {  	p0 =	sne.s32 s29, $0x3FF0;
	v6 =	vor.u32 v6, v7  }
.Ltmp3:
0x27: {  	_ = 	snop;
	(pc) =	sbr.rel @p0 .LBB2_4-.Ltmp3, $3  }
0x28: {  	_ =	sdelay $0x1  }
0x29: {  	v7 =	vor.u32 s29, v0  }
0x2a: {  	s28 =	sadd.s32 $0x10, s28;
	s29 =	sadd.s32 $0x10, s29;
	[tilespmem:v6+s15+$0x0] =	vst.idx.msk vm0, v7  }
0x2b: {  	s28 =	simm.s32 $0x0  }
0x2c: {  	v6 =	vld [tilespmem:s28+$0x4000];
	_ =	sdelay $0x4  }
0x2d: {  	vm0 =	vgt.s32 v6, $0xFFFFFFFF  }
0x2e: {  	v7 =	vsel vm0, $0x1, v3  }
0x2f: {  	(xrf0) =	vadd.scan.msk.s32 $0xffff, v7;
	_ =	sdelay $0x2  }
0x30: {  	v7 =	vmov s26  }
0x31: {  	v7 =	vadd.s32 $0xFFFFFFFF, v7  }
0x32: {  	v7 =	vbroadcast v7, $0x0  }
0x33: {  	v8, _, _ =	vpop (xrf0)  }
0x34: {  	v7 =	vadd.s32 v8, v7  }
0x35: {  	(v2sf) =	vpush v8, $0xF;
	vm1 =	vlt.s32 v7, $0x400  }
0x36: {  	vm0 =	vmand vm0, vm1;
	_ =	sdelay $0x1  }
0x37: {  	v8 =	vadd.s32 s10, v0  }
0x38: {  	v9 =	vshll.u32 v8, $0xE  }
0x39: {  	v9 =	vadd.s32 v9, v6  }
0x3a: {  	v9 =	vxor.u32 $0x80000000, v9  }
0x3b: {  	[tilespmem:v7+s16+$0x0] =	vst.idx.msk vm0, v8;
	v8 =	vnsel vm0, $0x7FFFFFFF, v9  }
0x3c: {  	(xrf0) =	vmax.scan.msk.u32 $0xffff, v8;
	_ =	sdelay $0x4  }
0x3d: {  	s1 =	simm.s32 $0x10;
	[tilespmem:v7+s17+$0x0] =	vst.idx.msk vm0, v6  }
0x3e: {  	v6 =	vld [tilespmem:s1+$0x4000];
	v10, _, _ =	vpop (xrf0)  }
0x3f: {  	s28 =	spop (v2sf);
	(v2sf) =	vpush v10, $0xF;
	_ =	sdelay $0x3  }
0x40: {  	s26 =	sadd.s32 $0x10, s10;
	vm0 =	vgt.s32 v6, $0xFFFFFFFF  }
0x41: {  	v7 =	vadd.s32 s26, v0;
	s28 =	sadd.s32 $0x0, s28;
	v11 =	vsel vm0, $0x1, v3  }
0x42: {  	v8 =	vshll.u32 v7, $0xE;
	v9 =	vmov s28;
	(xrf0) =	vadd.scan.msk.s32 $0xffff, v11  }
0x43: {  	v8 =	vadd.s32 v8, v6;
	v9 =	vadd.s32 $0xFFFFFFFF, v9  }
0x44: {  	s29 =	simm.s32 $0xFFFFFFFF;
	s30 =	simm.s32 $0x80;
	s31 =	simm.s32 $0xC0;
	v8 =	vxor.u32 $0x80000000, v8;
	v9 =	vbroadcast v9, $0x0  }
.LBB2_6:
0x45: {  	s1 =	smov.u32 s29  }
0x46: {  	p0 =	sne.s32 s31, $0x30C0;
	_ =	sdelay $0x1  }
0x47: {  	v10, _, _ =	vpop (xrf0)  }
0x48: {  	v9 =	vadd.s32 v10, v9;
	(v2sf) =	vpush v10, $0xF  }
0x49: {  	vm1 =	vlt.s32 v9, $0x400  }
0x4a: {  	vm0 =	vmand vm0, vm1;
	s29 =	spop (v2sf)  }
0x4b: {  	v8 =	vnsel vm0, $0x7FFFFFFF, v8;
	s29 =	sxor.u32 $0x80000000, s29  }
0x4c: {  	(xrf0) =	vmax.scan.msk.u32 $0xffff, v8;
	p1 =	sgt.s32 s1, s29  }
0x4d: {  	s29 =	smov.u32 @p1 s1;
	_ =	sdelay $0x2  }
0x4e: {  	[tilespmem:v9+s16+$0x0] =	vst.idx.msk vm0, v7  }
0x4f: {  	s1 =	sshra.s32 s30, $0x2;
	s30 =	smov.u32 s31;
	[tilespmem:v9+s17+$0x0] =	vst.idx.msk vm0, v6  }
0x50: {  	v6 =	vld [tilespmem:s1+$0x4000];
	v7, _, _ =	vpop (xrf0)  }
0x51: {  	(v2sf) =	vpush v7, $0xF  }
0x52: {  	s26 =	sadd.s32 $0x10, s26  }
0x53: {  	v7 =	vadd.s32 s26, v0  }
0x54: {  	v8 =	vshll.u32 v7, $0xE  }
0x55: {  	vm0 =	vgt.s32 v6, $0xFFFFFFFF;
	v8 =	vadd.s32 v8, v6;
	s1 =	spop (v2sf)  }
.Ltmp4:
0x56: {  	v9 =	vsel vm0, $0x1, v3;
	v8 =	vxor.u32 $0x80000000, v8;
	s28 =	sadd.s32 s28, s1;
	(pc) =	sbr.rel @p0 .LBB2_6-.Ltmp4, $4  }
0x57: {  	v10 =	vmov s28;
	(xrf0) =	vadd.scan.msk.s32 $0xffff, v9  }
0x58: {  	v9 =	vadd.s32 $0xFFFFFFFF, v10  }
0x59: {  	v9 =	vbroadcast v9, $0x0  }
0x5a: {  	s31 =	sadd.s32 $0x40, s31  }
0x5b: {  	_ =	sdelay $0x1  }
0x5c: {  	v10, _, _ =	vpop (xrf0)  }
0x5d: {  	v9 =	vadd.s32 v10, v9  }
0x5e: {  	vm1 =	vlt.s32 v9, $0x400  }
0x5f: {  	vm0 =	vmand vm0, vm1  }
0x60: {  	(v2sf) =	vpush v10, $0xF;
	_ =	sdelay $0x4  }
0x61: {  	[tilespmem:v9+s16+$0x0] =	vst.idx.msk vm0, v7  }
0x62: {  	s1 =	sshra.s32 s30, $0x2;
	[tilespmem:v9+s17+$0x0] =	vst.idx.msk vm0, v6  }
0x63: {  	v6 =	vld [tilespmem:s1+$0x4000];
	_ =	sdelay $0x4  }
0x64: {  	v7 =	vnsel vm0, $0x7FFFFFFF, v8;
	vm14 =	vgt.s32 v6, $0xFFFFFFFF  }
0x65: {  	(xrf0) =	vmax.scan.msk.u32 $0xffff, v7;
	v7 =	vsel vm14, $0x1, v3  }
0x66: {  	s1 =	spop (v2sf);
	(xrf0) =	vadd.scan.msk.s32 $0xffff, v7  }
0x67: {  	s31 =	spop (v2sf)  }
0x68: {  	s28 =	sadd.s32 s28, s31  }
0x69: {  	v7 =	vmov s28  }
0x6a: {  	v7 =	vadd.s32 $0xFFFFFFFF, v7  }
0x6b: {  	s26 =	sadd.s32 $0x10, s26;
	v60, _, _ =	vpop (xrf0);
	v7 =	vbroadcast v7, $0x0  }
0x6c: {  	v61 =	vadd.s32 s26, v0;
	v62, _, _ =	vpop (xrf0)  }
0x6d: {  	v11 =	vshll.u32 v61, $0xE;
	v7 =	vadd.s32 v62, v7  }
0x6e: {  	v11 =	vadd.s32 v11, v6;
	vm15 =	vlt.s32 v7, $0x400  }
0x6f: {  	v11 =	vxor.u32 $0x80000000, v11;
	vm0 =	vmand vm14, vm15  }
0x70: {  	v11 =	vnsel vm0, $0x7FFFFFFF, v11  }
0x71: {  	(xrf0) =	vmax.scan.msk.u32 $0xffff, v11;
	_ =	sdelay $0x1  }
0x72: {  	(v2sf) =	vpush v60, $0xF  }
0x73: {  	(v2sf) =	vpush v62, $0xF;
	_ =	sdelay $0x2  }
0x74: {  	v63, _, _ =	vpop (xrf0)  }
0x75: {  	(v2sf) =	vpush v63, $0xF;
	_ =	sdelay $0x9  }
0x76: {  	s30 =	spop (v2sf)  }
0x77: {  	s26 =	spop (v2sf)  }
0x78: {  	s1 =	sxor.u32 $0x80000000, s1;
	s26 =	sadd.s32 s28, s26  }
0x79: {  	p0 =	sgt.s32 s29, s1;
	p1 =	slt.s32 s26, $0x1  }
.Ltmp5:
0x7a: {  	s1 =	smov.u32 @p0 s29;
	s29 =	sxor.u32 $0x80000000, s30;
	(pc) =	sbr.rel @p1 .LBB2_16-.Ltmp5, $4  }
0x7b: {  	p0 =	sgt.s32 s1, s29;
	s31 =	spop (v2sf)  }
0x7c: {  	s29 =	smov.u32 @p0 s1;
	s28 =	sxor.u32 $0x80000000, s31  }
0x7d: {  	[tilespmem:v7+s16+$0x0] =	vst.idx.msk vm0, v61;
	p0 =	sgt.s32 s29, s28  }
0x7e: {  	[tilespmem:v7+s17+$0x0] =	vst.idx.msk vm0, v6;
	s28 =	smov.u32 @p0 s29  }
0x7f: {  	p0 =	sgt.u32 s26, $0x3FF  }
.Ltmp6:
0x80: {  	_ = 	snop;
	(pc) =	sbr.rel @p0 .LBB2_12-.Ltmp6, $1  }
0x81: {  	_ =	sdelay $0x3  }
0x82: {  	s29 =	sshrl.u32 s26, $0x4  }
0x83: {  	s1 =	sand.u32 $0xFFFFFFF0, s26;
	s29 =	ssub.s32 $0x40, s29  }
0x84: {  	v7 =	vmov s1;
	p0 =	sne.s32 s29, $0x1  }
.Ltmp7:
0x85: {  	v6 =	vmov s26;
	v8 =	vor.u32 s1, v0;
	v9 =	vand.u32 $0x3F8, v7;
	(pc) =	sbr.rel @!p0 .LBB2_11-.Ltmp7, $4  }
0x86: {  	vm0 =	vge.s32 v8, v6;
	v9 =	vor.u32 v4, v9  }
0x87: {  	vm1 =	vmmov vm0;
	v9 =	vor.u32 v5, v9  }
0x88: {  	s30 =	sshra.s32 s28, $0xE;
	s28 =	sand.u32 $0x3FFF, s28  }
0x89: {  	v7 =	vmov s30;
	v8 =	vmov s28;
	s28 =	sadd.s32 $0xFFFFFFFF, s29;
	s29 =	sadd.s32 $0x10, s1  }
.LBB2_10:
0x8a: {  	v10 =	vmov s29;
	p0 =	sne.s32 s28, $0x1  }
.Ltmp8:
0x8b: {  	v11 =	vor.u32 s29, v0;
	s28 =	sadd.s32 $0xFFFFFFFF, s28;
	v10 =	vand.u32 $0x3F8, v10;
	(pc) =	sbr.rel @p0 .LBB2_10-.Ltmp8, $3  }
0x8c: {  	v10 =	vor.u32 v4, v10;
	[tilespmem:v9+s16+$0x0] =	vst.idx.msk vm0, v7;
	vm0 =	vge.s32 v11, v6  }
0x8d: {  	[tilespmem:v9+s17+$0x0] =	vst.idx.msk vm1, v8;
	v9 =	vor.u32 v5, v10;
	vm1 =	vmmov vm0;
	_ =	sdelay $0x1  }
0x8e: {  	s29 =	sadd.s32 $0x10, s29  }
.LBB2_11:
0x8f: {  	_ =	sdelay $0x4  }
0x90: {  	[tilespmem:v9+s16+$0x0] =	vst.idx.msk vm0, v7  }
0x91: {  	[tilespmem:v9+s17+$0x0] =	vst.idx.msk vm1, v8  }
.LBB2_12:
0x92: {  	s1 =	sadd.s32 $0x7F, s26  }
0x93: {  	s29 =	sshra.s32 s1, $0x7  }
0x94: {  	p0 =	slt.s32 s29, $0x1  }
.Ltmp9:
0x95: {  	_ = 	snop;
	(pc) =	sbr.rel @p0 .LBB2_16-.Ltmp9, $1  }
0x96: {  	_ =	sdelay $0x3  }
0x97: {  	s26 =	simm.s32 $0x5040  }
0x98: {  	[tilespmem:s19], [sflag:$0x1] =	stream.indirect.gather [hbm4b:s0+s18], $0x100, s26, s18, $0xb8;
	[tilespmem:$0x11540] =	vst v63  }
0x99: {  	_ = 	snop  }
0x9a: {  	[tilespmem:s20], [sflag:$0x1] =	stream.indirect.gather [hbm4b:s8+s18], $0x80, s26, s18, $0xb8;
	[tilespmem:$0x11540] =	vst v63  }
0x9b: {  	_ = 	snop  }
0x9c: {  	[tilespmem:s21], [sflag:$0x1] =	stream.indirect.gather [hbm4b:s2+s18], $0x1, s26, s18, $0xb8;
	[tilespmem:$0x11540] =	vst v63  }
0x9d: {  	_ = 	snop  }
0x9e: {  	[tilespmem:s22], [sflag:$0x1] =	stream.indirect.gather [hbm4b:s3+s18], $0x1, s26, s18, $0xb8;
	[tilespmem:$0x11540] =	vst v63  }
0x9f: {  	_ =	swait.ge [sflag:s23], $0x8000  }
0xa0: {  	[sflag:s23] =	ssyncset.done $0x0  }
0xa1: {  	[sflag:s23] =	ssyncadd.s32 $0xFFFF8000  }
0xa2: {  	_ =	swait.ge [sflag:s23], $0x4000  }
0xa3: {  	[sflag:s23] =	ssyncset.done $0x0  }
0xa4: {  	[sflag:s23] =	ssyncadd.s32 $0xFFFFC000  }
0xa5: {  	_ =	swait.ge [sflag:s23], $0x80  }
0xa6: {  	[sflag:s23] =	ssyncset.done $0x0  }
0xa7: {  	[sflag:s23] =	ssyncadd.s32 $0xFFFFFF80  }
0xa8: {  	_ =	swait.ge [sflag:s23], $0x80  }
0xa9: {  	[sflag:s23] =	ssyncset.done $0x0  }
0xaa: {  	s28 =	simm.s32 $0x4C40;
	[sflag:s23] =	ssyncadd.s32 $0xFFFFFF80  }
0xab: {  	[hbm4b:s9+s18] =	stream.indirect.scatter [tilespmem:s19], [sflag:$0x2], $0x100, s28, s18, $0xb8;
	[tilespmem:$0x11540] =	vst v63  }
0xac: {  	_ = 	snop  }
0xad: {  	[hbm4b:s11+s18] =	stream.indirect.scatter [tilespmem:s20], [sflag:$0x2], $0x80, s28, s18, $0xb8;
	[tilespmem:$0x11540] =	vst v63  }
0xae: {  	_ = 	snop  }
0xaf: {  	[hbm4b:s6+s18] =	stream.indirect.scatter [tilespmem:s21], [sflag:$0x2], $0x1, s28, s18, $0xb8;
	[tilespmem:$0x11540] =	vst v63  }
0xb0: {  	_ = 	snop  }
0xb1: {  	[hbm4b:s7+s18] =	stream.indirect.scatter [tilespmem:s22], [sflag:$0x2], $0x1, s28, s18, $0xb8;
	[tilespmem:$0x11540] =	vst v63  }
0xb2: {  	_ =	swait.ge [sflag:s24], $0x8000  }
0xb3: {  	[sflag:s24] =	ssyncset.done $0x0  }
0xb4: {  	[sflag:s24] =	ssyncadd.s32 $0xFFFF8000  }
0xb5: {  	_ =	swait.ge [sflag:s24], $0x4000  }
0xb6: {  	[sflag:s24] =	ssyncset.done $0x0  }
0xb7: {  	p0 =	sne.s32 s29, $0x1;
	[sflag:s24] =	ssyncadd.s32 $0xFFFFC000  }
.Ltmp10:
0xb8: {  	_ =	swait.ge [sflag:s24], $0x80;
	(pc) =	sbr.rel @!p0 .LBB2_15-.Ltmp10, $4  }
0xb9: {  	[sflag:s24] =	ssyncset.done $0x0  }
0xba: {  	[sflag:s24] =	ssyncadd.s32 $0xFFFFFF80  }
0xbb: {  	_ =	swait.ge [sflag:s24], $0x80  }
0xbc: {  	s29 =	sadd.s32 $0xFFFFFFFF, s29;
	[sflag:s24] =	ssyncset.done $0x0  }
.LBB2_14:
0xbd: {  	[sflag:s24] =	ssyncadd.s32 $0xFFFFFF80;
	s26 =	sadd.s32 $0x80, s26;
	s28 =	sadd.s32 $0x80, s28  }
0xbe: {  	[tilespmem:s19], [sflag:$0x1] =	stream.indirect.gather [hbm4b:s0+s18], $0x100, s26, s18, $0xb8;
	[tilespmem:$0x11540] =	vst v63  }
0xbf: {  	p0 =	sne.s32 s29, $0x1;
	s29 =	sadd.s32 $0xFFFFFFFF, s29  }
0xc0: {  	[tilespmem:s20], [sflag:$0x1] =	stream.indirect.gather [hbm4b:s8+s18], $0x80, s26, s18, $0xb8;
	[tilespmem:$0x11540] =	vst v63  }
0xc1: {  	_ = 	snop  }
0xc2: {  	[tilespmem:s21], [sflag:$0x1] =	stream.indirect.gather [hbm4b:s2+s18], $0x1, s26, s18, $0xb8;
	[tilespmem:$0x11540] =	vst v63  }
0xc3: {  	_ = 	snop  }
0xc4: {  	[tilespmem:s22], [sflag:$0x1] =	stream.indirect.gather [hbm4b:s3+s18], $0x1, s26, s18, $0xb8;
	[tilespmem:$0x11540] =	vst v63  }
0xc5: {  	_ =	swait.ge [sflag:s23], $0x8000  }
0xc6: {  	[sflag:s23] =	ssyncset.done $0x0  }
0xc7: {  	[sflag:s23] =	ssyncadd.s32 $0xFFFF8000  }
0xc8: {  	_ =	swait.ge [sflag:s23], $0x4000  }
0xc9: {  	[sflag:s23] =	ssyncset.done $0x0  }
0xca: {  	[sflag:s23] =	ssyncadd.s32 $0xFFFFC000  }
0xcb: {  	_ =	swait.ge [sflag:s23], $0x80  }
0xcc: {  	[sflag:s23] =	ssyncset.done $0x0  }
0xcd: {  	[sflag:s23] =	ssyncadd.s32 $0xFFFFFF80  }
0xce: {  	_ =	swait.ge [sflag:s23], $0x80  }
0xcf: {  	[sflag:s23] =	ssyncset.done $0x0  }
0xd0: {  	[sflag:s23] =	ssyncadd.s32 $0xFFFFFF80  }
0xd1: {  	[hbm4b:s9+s18] =	stream.indirect.scatter [tilespmem:s19], [sflag:$0x2], $0x100, s28, s18, $0xb8;
	[tilespmem:$0x11540] =	vst v63  }
0xd2: {  	_ = 	snop  }
0xd3: {  	[hbm4b:s11+s18] =	stream.indirect.scatter [tilespmem:s20], [sflag:$0x2], $0x80, s28, s18, $0xb8;
	[tilespmem:$0x11540] =	vst v63  }
0xd4: {  	_ = 	snop  }
0xd5: {  	[hbm4b:s6+s18] =	stream.indirect.scatter [tilespmem:s21], [sflag:$0x2], $0x1, s28, s18, $0xb8;
	[tilespmem:$0x11540] =	vst v63  }
0xd6: {  	_ = 	snop  }
0xd7: {  	[hbm4b:s7+s18] =	stream.indirect.scatter [tilespmem:s22], [sflag:$0x2], $0x1, s28, s18, $0xb8;
	[tilespmem:$0x11540] =	vst v63  }
0xd8: {  	_ =	swait.ge [sflag:s24], $0x8000  }
0xd9: {  	[sflag:s24] =	ssyncset.done $0x0  }
0xda: {  	[sflag:s24] =	ssyncadd.s32 $0xFFFF8000  }
0xdb: {  	_ =	swait.ge [sflag:s24], $0x4000  }
0xdc: {  	[sflag:s24] =	ssyncset.done $0x0  }
0xdd: {  	[sflag:s24] =	ssyncadd.s32 $0xFFFFC000  }
.Ltmp11:
0xde: {  	_ =	swait.ge [sflag:s24], $0x80;
	(pc) =	sbr.rel @p0 .LBB2_14-.Ltmp11, $4  }
0xdf: {  	[sflag:s24] =	ssyncset.done $0x0  }
0xe0: {  	[sflag:s24] =	ssyncadd.s32 $0xFFFFFF80  }
0xe1: {  	_ =	swait.ge [sflag:s24], $0x80  }
0xe2: {  	[sflag:s24] =	ssyncset.done $0x0  }
.Ltmp12:
0xe3: {  	_ = 	snop;
	(pc) =	sbr.rel .LBB2_15-.Ltmp12, $1  }
0xe4: {  	_ =	sdelay $0x3  }
.LBB2_17:
0xe5: {  	_ =	sfence.sel $0x180000  }
0xe6: {  	[bflag:$0x0] =	sbarrier.arrive $0xFFFF  }
0xe7: {  	_ =	strace $0x9000004A  }
0xe8: {  	[bflag:$0x2] =	sbarrier.arrive $0xFFFF  }
0xe9: {  	p0 =	sne.s32 s5, $0x0;
	s0 =	rddreg [dreg:$0x7]  }
0xea: {  	s0 =	sadd.s32 @!p0 $0x100000, s0  }
0xeb: {  	[sflag:s0] =	ssyncadd.tile.s32 @!p0 $0x1;
	_ =	shalt  }
.Lfunc_end2:
_tile_overlayer_lowered:
.L_overlay_start_2:
0xec: {  	(tag) =	ssettag $0x2  }
0xed: {  	s0 =	rddreg [dreg:$0x0];
	s2 =	stileid.u32  }
0xee: {  	s1 =	rddreg [dreg:$0x1];
	p0 =	sne.s32 s2, $0x0  }
0xef: {  	s3 =	rddreg [dreg:$0x2];
	[bflag:$0x3] =	sbarrier.arrive $0xFFFF;
	s2 =	simm.s32 @!p0 $0x1C03  }
0xf0: {  	[timem:s3], [sflag:s2] =	dma.local @!p0 [hbm:s0], s1  }
0xf1: {  	s0 =	simm.s32 @!p0 $0x3  }
0xf2: {  	_ =	swait.ge @!p0 [sflag:s0], s1  }
0xf3: {  	s1 =	ssub.s32 @!p0 $0x0, s1;
	[sflag:s0] =	ssyncset.done @!p0 $0x0  }
0xf4: {  	[sflag:s0] =	ssyncadd.s32 @!p0 s1  }
0xf5: {  	[bflag:$0x3] =	sbarrier.arrive $0xFFFF  }
0xf6: {  	_ =	shalt  }

// kernel: sparse-core-data-format-call.1.cloned.1.call-start
scs
called_computation.1_lowered:
.L_overlay_start_0:
0x0: {  	s2 =	sld [smem:$0x3FD9]  }
0x1: {  	s3 =	sld [smem:$0x3FFE];
	_ =	sdelay $0x1  }
0x2: {  	s1 =	srdreg.scid  }
0x3: {  	s0 =	sand.u32 $0x1, s1  }
0x4: {  	s18 =	sshll.u32 s0, $0xA;
	s2 =	sadd.s32 s3, s2  }
0x5: {  	s2 =	sadd.s32 s2, s18  }
0x6: {  	[smem:$0x3FBF] =	sst s2  }
0x7: {  	_ = 	snop  }
0x8: {  	s2 =	sld [smem:$0x3FC9];
	(tm) =	ssettm $0x1  }
0x9: {  	s19 =	sld [smem:$0x3FFB];
	_ =	sdelay $0x3  }
0xa: {  	_ =	strace s19  }
0xb: {  	s3 =	sld [smem:$0x3FFC];
	_ =	sdelay $0x3  }
0xc: {  	_ =	strace s3  }
0xd: {  	s3 =	sld [smem:$0x3FFD];
	_ =	sdelay $0x3  }
0xe: {  	_ =	strace s3  }
0xf: {  	_ =	strace $0x8FFFFFFF  }
0x10: {  	s20 =	sld [smem:$0x3FDB];
	_ =	sdelay $0x1  }
0x11: {  	s4 =	simm.s32 $_scs_section_size  }
0x12: {  	s5 =	simm.s32 $_size__tile_overlayer_lowered;
	s6 =	simm.s32 $_tile_overlayer_lowered  }
0x13: {  	s23 =	simm.s32 $0x1BFF;
	s22 =	sshll.u32 s6, $0x1;
	s3 =	sadd.s32 s4, s20  }
0x14: {  	s7 =	simm.s32 $0x0;
	s21 =	sshll.u32 s5, $0x1;
	s5 =	sadd.s32 s22, s3  }
0x15: {  	[timem:s7], [sflag:s23] =	dma.local [hbm:s5], s21  }
0x16: {  	_ =	swait.ge [sflag:s23], s21  }
0x17: {  	s4 =	ssub.s32 $0x0, s21;
	[sflag:s23] =	ssyncset.done $0x0  }
0x18: {  	[sflag:s23] =	ssyncadd.s32 s4;
	_ =	sdelay $0x1  }
0x19: {  	s24 =	simm.s32 $0x1B8B  }
0x1a: {  	_ =	swait.ge [sflag:s24], $0x1  }
0x1b: {  	[sflag:s24] =	ssyncset.done $0x0  }
0x1c: {  	s26 =	simm.s32 $0x1B8E;
	s25 =	sld [smem:$0x3FFE];
	[sflag:s24] =	ssyncadd.s32 $0xFFFFFFFF  }
0x1d: {  	s27 =	simm.s32 $execute0_lowered;
	[smem:$0x3FD2] =	sst s26  }
0x1e: {  	s5 =	sshll.u32 s27, $0x1;
	_ =	strace $0x80000046;
	[dreg:$0x1] =	wrdreg $0xFFFFFFFF  }
0x1f: {  	s28 =	simm.s32 $_size_execute0_lowered;
	s3 =	sadd.s32 s3, s5;
	[dreg:$0x0] =	wrdreg $0x0  }
0x20: {  	s5 =	sshll.u32 s28, $0x1;
	[dreg:$0x2] =	wrdreg s3  }
0x21: {  	[dreg:$0x3] =	wrdreg s5  }
0x22: {  	[dreg:$0x4] =	wrdreg $0xC0  }
0x23: {  	_ =	task [dreg:s7], $0x5FFFF  }
0x24: {  	[dreg:$0x1] =	wrdreg $0xFFFFFFFF  }
0x25: {  	[dreg:$0x0] =	wrdreg $0x60  }
0x26: {  	[dreg:$0x2] =	wrdreg s2  }
0x27: {  	[dreg:$0x3] =	wrdreg s25  }
0x28: {  	[dreg:$0x4] =	wrdreg $0x9  }
0x29: {  	_ =	task.clear_ibuf [dreg:s7], $0x5FFFF;
	_ =	strace $0x90000046  }
0x2a: {  	s29 =	simm.s32 $0x9;
	_ =	strace $0x80000048  }
0x2b: {  	_ =	swait.ge [sflag:s29], $0x1  }
0x2c: {  	[sflag:s29] =	ssyncadd.s32 $0xFFFFFFFF  }
0x2d: {  	_ =	strace $0x90000048  }
0x2e: {  	_ =	sfence  }
0x2f: {  	s30 =	sld [smem:$0x0];
	_ =	sdelay $0x2  }
0x30: {  	s31 =	sshll.u32 s1, $0xD;
	s1 =	sshrl.u32 s1, $0x2  }
0x31: {  	s3 =	sand.u32 $0x4000, s31;
	s1 =	sadd.s32 s1, s30  }
0x32: {  	s0 =	sor.u32 s3, s0;
	s1 =	sshll.u32 s1, $0x11  }
0x33: {  	s0 =	sor.u32 s1, s0  }
0x34: {  	s0 =	sadd.s32 $0x8F2B, s0  }
0x35: {  	[sflag:s0] =	ssyncadd.remote.s32 $0x1  }
0x36: {  	_ =	sfence.sel $0xFFFF  }
0x37: {  	[dreg:$0x0] =	wrdreg $0xFFFFFFFF;
	(pc) =	sbr.abs _section_cstart, $3  }
0x38: {  	[dreg:$0x1] =	wrdreg $0xFFFFFFFF  }
0x39: {  	_ =	task.clear_ibuf [dreg:s7], $0x2FFFF;
	_ =	strace $0x9FFFFFFF  }
0x3a: {  	(tm) =	ssettm $0x7FFFFFFF  }
0x3b: {  	_ =	shalt  }
tec
execute0_lowered:
.L_overlay_start_1:
0x0: {  	(tag) =	ssettag $0x1  }
0x1: {  	s0 =	srdreg.scid;
	s2 =	rddreg [dreg:$0x0]  }
0x2: {  	s5 =	rddreg [dreg:$0x1];
	s1 =	stileid.u32  }
0x3: {  	s4 =	simm.s32 $0x1;
	s6 =	simm.s32 $0x2;
	s0 =	sshll.u32 s0, $0x4  }
0x4: {  	s8 =	simm.s32 $0x0;
	s9 =	simm.s32 $0x0;
	s3 =	sand.u32 $0x10, s0  }
.Ltmp0:
0x5: {  	s13 =	simm.s32 $0x0;
	s3 =	sor.u32 s1, s3;
	(pc) =	sbr.rel .LBB1_1-.Ltmp0, $4  }
0x6: {  	s0 =	rddreg [dreg:$0x2];
	_ =	strace $0x80000047;
	s3 =	sshll.u32 s3, $0x3  }
0x7: {  	s10 =	simm.s32 $0x0;
	[sflag:s4] =	ssyncpa.u1 $0x0;
	s7 =	ssub.s32 $0x30D0, s3  }
0x8: {  	s12 =	simm.s32 $0x0;
	[sflag:s6] =	ssyncpa.u1 $0x0;
	s6 =	sshrl.u32 s7, $0x8  }
0x9: {  	s5 =	sadd.s32 $0x1400, s5;
	s11 =	smov.u32 s3;
	s7 =	sadd.s32 $0x2, s6  }
.LBB1_9:
0xa: {  	s15 =	sshll.u32 s12, $0xE  }
0xb: {  	s16 =	sshll.u32 s10, $0x8;
	s15 =	sand.u32 $0x4000, s15  }
0xc: {  	s16 =	sadd.s32 s5, s16;
	s15 =	sor.u32 $0x8000, s15  }
0xd: {  	[hbm4b:s16+s8] =	stream.linear.scatter [tilespmem:s15], [sflag:$0x2], s14, $0x38;
	[tilespmem:$0x10000] =	vst v63  }
.LBB1_10:
0xe: {  	p0 =	slt.u32 s12, $0x2  }
0xf: {  	p1 =	sgt.s32 @!p0 s13, $0x30CC  }
0x10: {  	s14 =	smov.u32 s13;
	s15 =	sshra.s32 @!p0 s13, $0x1F;
	p1 =	por !p1, p0  }
0x11: {  	s13 =	sand.u32 @!p0 s15, s13;
	s14 =	simm.s32 @p1 $0x30CC  }
0x12: {  	s13 =	ssub.s32 @!p0 s14, s13  }
0x13: {  	s13 =	sadd.s32 @!p0 $0xFFFFCF34, s13  }
0x14: {  	s14 =	sshll.u32 @!p0 s13, $0xD  }
0x15: {  	p1 =	sgt.s32 @!p0 s13, $0x7;
	s13 =	ssub.s32 @!p0 $0x10000, s14  }
0x16: {  	s15 =	sadd.s32 $0x100, s11;
	p1 =	por !p1, p0;
	s13 =	sshrl.u32 @!p0 s13, $0x2  }
0x17: {  	s13 =	simm.s32 @!p1 $0x0;
	p1 =	sgt.s32 s15, $0x30D3  }
0x18: {  	s15 =	smov.u32 @p1 s3;
	p1 =	sne.s32 s12, s7  }
.Ltmp1:
0x19: {  	_ = 	snop;
	(pc) =	sbr.rel @!p1 .LBB1_11-.Ltmp1, $4  }
0x1a: {  	s14 =	simm.s32 @!p0 $0x2  }
0x1b: {  	s9 =	sadd.s32 $0x4000, s9;
	_ =	swait.ge @!p0 [sflag:s14], s13;
	s16 =	ssub.s32 @!p0 $0x0, s13  }
0x1c: {  	s13 =	smov.u32 s10;
	s12 =	sadd.s32 $0x1, s12;
	[sflag:s14] =	ssyncset.done @!p0 $0x0  }
0x1d: {  	s10 =	smov.u32 s11;
	s11 =	smov.u32 s15;
	[sflag:s14] =	ssyncadd.s32 @!p0 s16  }
.LBB1_1:
0x1e: {  	p0 =	sgt.u32 s12, s6  }
0x1f: {  	p1 =	sgt.s32 @!p0 s11, $0x30CC  }
0x20: {  	s14 =	smov.u32 s11;
	s15 =	sshra.s32 @!p0 s11, $0x1F;
	p1 =	por !p1, p0  }
0x21: {  	s15 =	sand.u32 @!p0 s15, s11;
	s14 =	simm.s32 @p1 $0x30CC  }
0x22: {  	s14 =	ssub.s32 @!p0 s14, s15  }
0x23: {  	s14 =	sadd.s32 @!p0 $0xFFFFCF34, s14  }
0x24: {  	s17 =	simm.s32 @!p0 $0x0;
	s15 =	sxor.u32 @!p0 $0xFFFFFFFF, s12;
	s16 =	sshll.u32 @!p0 s14, $0xD  }
0x25: {  	s15 =	sshll.u32 @!p0 s15, $0xE;
	p1 =	sgt.s32 @!p0 s14, $0x7;
	s14 =	ssub.s32 @!p0 $0x10000, s16  }
0x26: {  	p1 =	por !p1, p0;
	s16 =	sshll.u32 @!p0 s11, $0x8;
	s14 =	sshrl.u32 @!p0 s14, $0x2  }
0x27: {  	s15 =	sand.u32 @!p0 $0x4000, s15;
	s16 =	sadd.s32 @!p0 s2, s16;
	s14 =	simm.s32 @!p1 $0x0  }
0x28: {  	[tilespmem:s15], [sflag:$0x1] =	stream.linear.gather @!p0 [hbm4b:s16+s17], s14, $0x38;
	[tilespmem:$0x10000] =	vst v63  }
0x29: {  	p0 =	seq.s32 s12, $0x0  }
0x2a: {  	p1 =	sge.u32 @!p0 s12, s7  }
0x2b: {  	p0 =	por p0, p1  }
.Ltmp2:
0x2c: {  	_ = 	snop;
	(pc) =	sbr.rel @p0 .LBB1_10-.Ltmp2, $1  }
0x2d: {  	_ =	sdelay $0x3  }
0x2e: {  	p0 =	sgt.s32 s10, $0x30CC;
	s14 =	smov.u32 s10;
	s15 =	sshra.s32 s10, $0x1F  }
0x2f: {  	s14 =	simm.s32 @!p0 $0x30CC;
	s15 =	sand.u32 s15, s10  }
0x30: {  	s14 =	ssub.s32 s14, s15  }
0x31: {  	s16 =	sadd.s32 $0x8, s10;
	s14 =	sadd.s32 $0xFFFFCF34, s14  }
0x32: {  	p1 =	slt.s32 s16, $0x30D4;
	s30 =	sshll.u32 s14, $0xD  }
0x33: {  	s16 =	simm.s32 @!p1 $0x30D4;
	s15 =	ssub.s32 $0x10000, s30  }
0x34: {  	p0 =	sgt.s32 s14, $0x7;
	s14 =	sshrl.u32 s15, $0x2;
	s15 =	ssub.s32 s16, s10  }
0x35: {  	s14 =	simm.s32 @p0 $0x0;
	p0 =	slt.s32 s15, $0x1  }
.Ltmp3:
0x36: {  	_ = 	snop;
	(pc) =	sbr.rel @p0 .LBB1_9-.Ltmp3, $4  }
0x37: {  	_ = 	snop  }
0x38: {  	_ =	swait.ge [sflag:s4], s14  }
0x39: {  	s31 =	ssub.s32 $0x0, s14;
	[sflag:s4] =	ssyncset.done $0x0  }
0x3a: {  	[sflag:s4] =	ssyncadd.s32 s31  }
0x3b: {  	s16 =	sshll.u32 s9, $0x2  }
0x3c: {  	s16 =	sand.u32 $0x10000, s16  }
0x3d: {  	s16 =	sshrl.u32 s16, $0x2  }
0x3e: {  	s18 =	simm.s32 $0x0;
	s19 =	simm.s32 $0x0;
	s17 =	sor.u32 $0x8000, s16  }
.LBB1_4:
0x3f: {  	s20 =	sshra.s32 s18, $0x2  }
0x40: {  	v0 =	vmov s20;
	_ =	sdelay $0x3  }
0x41: {  	p1 =	por $0x1, $0x1;
	s20 =	simm.s32 $0x0  }
.LBB1_5:
0x42: {  	_ = 	snop  }
0x43: {  	s21 =	sshll.u32 s20, $0xA  }
0x44: {  	s21 =	sand.u32 $0x3FFFFC00, s21  }
0x45: {  	s21 =	sadd.s32 s21, s16  }
0x46: {  	v5 =	vld.idx.msk [tilespmem:v0+s21+$0x70 ss:$0x1], $0xffff  }
0x47: {  	v6 =	vld.idx.msk [tilespmem:v0+s21+$0x10 ss:$0x1], $0xffff  }
0x48: {  	v7 =	vld.idx.msk [tilespmem:v0+s21+$0x20 ss:$0x1], $0xffff  }
0x49: {  	s31 =	sshll.u32 s20, $0x7;
	v1 =	vld.idx.msk [tilespmem:v0+s21+$0x30 ss:$0x1], $0xffff  }
0x4a: {  	s20 =	sand.u32 $0x3FFFFF80, s31;
	v2 =	vld.idx.msk [tilespmem:v0+s21+$0x40 ss:$0x1], $0xffff  }
0x4b: {  	s20 =	sadd.s32 s20, s17;
	v3 =	vld.idx.msk [tilespmem:v0+s21+$0x50 ss:$0x1], $0xffff  }
0x4c: {  	v4 =	vld.idx.msk [tilespmem:v0+s21+$0x60 ss:$0x1], $0xffff;
	[tilespmem:v0+s20+$0x70 ss:$0x1] =	vst.idx.msk $0xffff, v5  }
0x4d: {  	v5 =	vld.idx.msk [tilespmem:v0+s21+$0x0 ss:$0x1], $0xffff;
	[tilespmem:v0+s20+$0x10 ss:$0x1] =	vst.idx.msk $0xffff, v6;
	s21 =	sadd.s32 $0x80, s21  }
0x4e: {  	p0 =	por p1, p1;
	s22 =	simm.s32 $0x6;
	[tilespmem:v0+s20+$0x20 ss:$0x1] =	vst.idx.msk $0xffff, v7;
	v6 =	vld.idx.msk [tilespmem:v0+s21+$0x70 ss:$0x1], $0xffff  }
.LBB1_6:
0x4f: {  	p1 =	sne.s32 s22, $0x1;
	v7 =	vld.idx.msk [tilespmem:v0+s21+$0x10 ss:$0x1], $0xffff;
	[tilespmem:v0+s20+$0x30 ss:$0x1] =	vst.idx.msk $0xffff, v1  }
0x50: {  	v8 =	vld.idx.msk [tilespmem:v0+s21+$0x20 ss:$0x1], $0xffff;
	[tilespmem:v0+s20+$0x40 ss:$0x1] =	vst.idx.msk $0xffff, v2  }
0x51: {  	v1 =	vld.idx.msk [tilespmem:v0+s21+$0x30 ss:$0x1], $0xffff;
	[tilespmem:v0+s20+$0x50 ss:$0x1] =	vst.idx.msk $0xffff, v3  }
.Ltmp4:
0x52: {  	v2 =	vld.idx.msk [tilespmem:v0+s21+$0x40 ss:$0x1], $0xffff;
	[tilespmem:v0+s20+$0x60 ss:$0x1] =	vst.idx.msk $0xffff, v4;
	(pc) =	sbr.rel @p1 .LBB1_6-.Ltmp4, $4  }
0x53: {  	v3 =	vld.idx.msk [tilespmem:v0+s21+$0x50 ss:$0x1], $0xffff;
	[tilespmem:v0+s20+$0x0 ss:$0x1] =	vst.idx.msk $0xffff, v5;
	s20 =	sadd.s32 $0x100, s20  }
0x54: {  	v4 =	vld.idx.msk [tilespmem:v0+s21+$0x60 ss:$0x1], $0xffff;
	[tilespmem:v0+s20+$0x70 ss:$0x1] =	vst.idx.msk $0xffff, v6  }
0x55: {  	v5 =	vld.idx.msk [tilespmem:v0+s21+$0x0 ss:$0x1], $0xffff;
	[tilespmem:v0+s20+$0x10 ss:$0x1] =	vst.idx.msk $0xffff, v7;
	s21 =	sadd.s32 $0x80, s21  }
0x56: {  	s22 =	sadd.s32 $0xFFFFFFFF, s22;
	v6 =	vld.idx.msk [tilespmem:v0+s21+$0x70 ss:$0x1], $0xffff;
	[tilespmem:v0+s20+$0x20 ss:$0x1] =	vst.idx.msk $0xffff, v8  }
0x57: {  	_ =	sdelay $0x3  }
0x58: {  	[tilespmem:v0+s20+$0x30 ss:$0x1] =	vst.idx.msk $0xffff, v1  }
0x59: {  	v1 =	vld.idx.msk [tilespmem:v0+s21+$0x10 ss:$0x1], $0xffff;
	[tilespmem:v0+s20+$0x40 ss:$0x1] =	vst.idx.msk $0xffff, v2  }
0x5a: {  	v2 =	vld.idx.msk [tilespmem:v0+s21+$0x20 ss:$0x1], $0xffff;
	[tilespmem:v0+s20+$0x50 ss:$0x1] =	vst.idx.msk $0xffff, v3  }
0x5b: {  	v61 =	vld.idx.msk [tilespmem:v0+s21+$0x40 ss:$0x1], $0xffff;
	[tilespmem:v0+s20+$0x60 ss:$0x1] =	vst.idx.msk $0xffff, v4  }
0x5c: {  	s31 =	sadd.s32 $0x100, s20;
	v62 =	vld.idx.msk [tilespmem:v0+s21+$0x50 ss:$0x1], $0xffff;
	[tilespmem:v0+s20+$0x0 ss:$0x1] =	vst.idx.msk $0xffff, v5  }
0x5d: {  	v63 =	vld.idx.msk [tilespmem:v0+s21+$0x60 ss:$0x1], $0xffff;
	[tilespmem:v0+s31+$0x70 ss:$0x1] =	vst.idx.msk $0xffff, v6  }
0x5e: {  	v3 =	vld.idx.msk [tilespmem:v0+s21+$0x30 ss:$0x1], $0xffff;
	[tilespmem:v0+s31+$0x10 ss:$0x1] =	vst.idx.msk $0xffff, v1  }
0x5f: {  	v1 =	vld.idx.msk [tilespmem:v0+s21+$0x0 ss:$0x1], $0xffff;
	[tilespmem:v0+s31+$0x20 ss:$0x1] =	vst.idx.msk $0xffff, v2  }
.Ltmp5:
0x60: {  	[tilespmem:v0+s31+$0x40 ss:$0x1] =	vst.idx.msk $0xffff, v61;
	(pc) =	sbr.rel @p0 .LBB1_5-.Ltmp5, $4  }
0x61: {  	[tilespmem:v0+s31+$0x50 ss:$0x1] =	vst.idx.msk $0xffff, v62  }
0x62: {  	[tilespmem:v0+s31+$0x60 ss:$0x1] =	vst.idx.msk $0xffff, v63  }
0x63: {  	[tilespmem:v0+s31+$0x30 ss:$0x1] =	vst.idx.msk $0xffff, v3  }
0x64: {  	p1 =	por $0x0, $0x0;
	s20 =	simm.s32 $0x1;
	[tilespmem:v0+s31+$0x0 ss:$0x1] =	vst.idx.msk $0xffff, v1  }
0x65: {  	s19 =	sadd.s32 $0x1, s19  }
0x66: {  	p0 =	sne.s32 s19, s15  }
.Ltmp6:
0x67: {  	_ = 	snop;
	(pc) =	sbr.rel @p0 .LBB1_4-.Ltmp6, $4  }
.Ltmp7:
0x68: {  	_ = 	snop;
	(pc) =	sbr.rel @!p0 .LBB1_9-.Ltmp7, $4  }
0x69: {  	_ = 	snop  }
0x6a: {  	_ = 	snop  }
0x6b: {  	s18 =	sadd.s32 $0x2000, s18  }
0x6c: {  	_ = 	snop  }
.LBB1_11:
0x6d: {  	_ =	sfence.sel $0x180000  }
0x6e: {  	s2 =	simm.s32 $0x1;
	[bflag:$0x0] =	sbarrier.arrive $0xFFFF  }
0x6f: {  	s31 =	simm.s32 $0x2;
	[sflag:s2] =	ssyncpa.u1 $0x1  }
0x70: {  	[sflag:s31] =	ssyncpa.u1 $0x1  }
0x71: {  	p0 =	sne.s32 s1, $0x0;
	_ =	strace $0x90000047  }
0x72: {  	s0 =	sadd.s32 @!p0 $0x100000, s0;
	[bflag:$0x2] =	sbarrier.arrive $0xFFFF  }
0x73: {  	[sflag:s0] =	ssyncadd.tile.s32 @!p0 $0x1;
	_ =	shalt  }
.Lfunc_end1:
_tile_overlayer_lowered:
.L_overlay_start_2:
0x74: {  	(tag) =	ssettag $0x2  }
0x75: {  	s0 =	rddreg [dreg:$0x0];
	s2 =	stileid.u32  }
0x76: {  	s1 =	rddreg [dreg:$0x1];
	p0 =	sne.s32 s2, $0x0  }
0x77: {  	s3 =	rddreg [dreg:$0x2];
	[bflag:$0x3] =	sbarrier.arrive $0xFFFF;
	s2 =	simm.s32 @!p0 $0x1C01  }
0x78: {  	[timem:s3], [sflag:s2] =	dma.local @!p0 [hbm:s0], s1  }
0x79: {  	s0 =	simm.s32 @!p0 $0x1  }
0x7a: {  	_ =	swait.ge @!p0 [sflag:s0], s1  }
0x7b: {  	s1 =	ssub.s32 @!p0 $0x0, s1;
	[sflag:s0] =	ssyncset.done @!p0 $0x0  }
0x7c: {  	[sflag:s0] =	ssyncadd.s32 @!p0 s1  }
0x7d: {  	[bflag:$0x3] =	sbarrier.arrive $0xFFFF  }
0x7e: {  	_ =	shalt  }

// kernel: sparse-core-data-format-call.cloned.1.call-start
scs
called_computation_lowered:
.L_overlay_start_0:
0x0: {  	s2 =	sld [smem:$0x3FD9]  }
0x1: {  	s3 =	sld [smem:$0x3FFE];
	_ =	sdelay $0x1  }
0x2: {  	s1 =	srdreg.scid  }
0x3: {  	s0 =	sand.u32 $0x1, s1  }
0x4: {  	s15 =	sshll.u32 s0, $0xA;
	s2 =	sadd.s32 s3, s2  }
0x5: {  	s2 =	sadd.s32 s2, s15  }
0x6: {  	[smem:$0x3FBF] =	sst s2  }
0x7: {  	_ = 	snop  }
0x8: {  	s2 =	sld [smem:$0x3FD0];
	_ =	sdelay $0x2  }
0x9: {  	s16 =	simm.s32 $0xA;
	s4 =	simm.s32 $0x10  }
0xa: {  	[smem:s4], [sflag:s16] =	dma.local [hbm:s2], $0x1  }
0xb: {  	_ =	swait.eq [sflag:s16], $0x1  }
0xc: {  	[sflag:s16] =	ssyncset.done $0x0  }
0xd: {  	[sflag:s16] =	ssyncadd.s32 $0xFFFFFFFF  }
0xe: {  	s17 =	sld [smem:$0x13];
	(tm) =	ssettm $0x1  }
0xf: {  	s18 =	sld [smem:$0x3FFB];
	_ =	sdelay $0x3  }
0x10: {  	_ =	strace s18  }
0x11: {  	s3 =	sld [smem:$0x3FFC];
	_ =	sdelay $0x3  }
0x12: {  	_ =	strace s3  }
0x13: {  	s3 =	sld [smem:$0x3FFD];
	_ =	sdelay $0x3  }
0x14: {  	_ =	strace s3  }
0x15: {  	_ =	strace $0x8FFFFFFF  }
0x16: {  	s19 =	sld [smem:$0x3FDB];
	_ =	sdelay $0x1  }
0x17: {  	s20 =	simm.s32 $_scs_section_size  }
0x18: {  	s5 =	simm.s32 $_size__tile_overlayer_lowered;
	s6 =	simm.s32 $_tile_overlayer_lowered  }
0x19: {  	s23 =	simm.s32 $0x1BFF;
	s22 =	sshll.u32 s6, $0x1;
	s3 =	sadd.s32 s20, s19  }
0x1a: {  	s7 =	simm.s32 $0x0;
	s21 =	sshll.u32 s5, $0x1;
	s5 =	sadd.s32 s22, s3  }
0x1b: {  	[timem:s7], [sflag:s23] =	dma.local [hbm:s5], s21  }
0x1c: {  	_ =	swait.ge [sflag:s23], s21  }
0x1d: {  	s4 =	ssub.s32 $0x0, s21;
	[sflag:s23] =	ssyncset.done $0x0  }
0x1e: {  	[sflag:s23] =	ssyncadd.s32 s4;
	_ =	sdelay $0x1  }
0x1f: {  	s24 =	simm.s32 $0x1B8B  }
0x20: {  	_ =	swait.ge [sflag:s24], $0x1  }
0x21: {  	[sflag:s24] =	ssyncset.done $0x0  }
0x22: {  	s26 =	simm.s32 $0x1B8E;
	s25 =	sld [smem:$0x3FFE];
	[sflag:s24] =	ssyncadd.s32 $0xFFFFFFFF  }
0x23: {  	s27 =	simm.s32 $execute0_lowered;
	[smem:$0x3FD2] =	sst s26  }
0x24: {  	s5 =	sshll.u32 s27, $0x1;
	_ =	strace $0x8000004C;
	[dreg:$0x1] =	wrdreg $0xFFFFFFFF  }
0x25: {  	s28 =	simm.s32 $_size_execute0_lowered;
	s3 =	sadd.s32 s3, s5;
	[dreg:$0x0] =	wrdreg $0x0  }
0x26: {  	s5 =	sshll.u32 s28, $0x1;
	[dreg:$0x2] =	wrdreg s3  }
0x27: {  	[dreg:$0x3] =	wrdreg s5  }
0x28: {  	[dreg:$0x4] =	wrdreg $0xC0  }
0x29: {  	_ =	task [dreg:s7], $0x5FFFF  }
0x2a: {  	[dreg:$0x1] =	wrdreg $0xFFFFFFFF  }
0x2b: {  	[dreg:$0x0] =	wrdreg $0x60  }
0x2c: {  	[dreg:$0x2] =	wrdreg s25  }
0x2d: {  	[dreg:$0x3] =	wrdreg s17  }
0x2e: {  	[dreg:$0x4] =	wrdreg $0x9  }
0x2f: {  	_ =	task.clear_ibuf [dreg:s7], $0x5FFFF;
	_ =	strace $0x9000004C  }
0x30: {  	s29 =	simm.s32 $0x9;
	_ =	strace $0x8000004E  }
0x31: {  	_ =	swait.ge [sflag:s29], $0x1  }
0x32: {  	[sflag:s29] =	ssyncadd.s32 $0xFFFFFFFF  }
0x33: {  	_ =	strace $0x9000004E  }
0x34: {  	_ =	sfence  }
0x35: {  	s30 =	sld [smem:$0x0];
	_ =	sdelay $0x2  }
0x36: {  	s31 =	sshll.u32 s1, $0xD;
	s1 =	sshrl.u32 s1, $0x2  }
0x37: {  	s3 =	sand.u32 $0x4000, s31;
	s1 =	sadd.s32 s1, s30  }
0x38: {  	s0 =	sor.u32 s3, s0;
	s1 =	sshll.u32 s1, $0x11  }
0x39: {  	s0 =	sor.u32 s1, s0  }
0x3a: {  	s0 =	sadd.s32 $0x8F2B, s0  }
0x3b: {  	[sflag:s0] =	ssyncadd.remote.s32 $0x1  }
0x3c: {  	_ =	sfence.sel $0xFFFF  }
0x3d: {  	[dreg:$0x0] =	wrdreg $0xFFFFFFFF;
	(pc) =	sbr.abs _section_cstart, $3  }
0x3e: {  	[dreg:$0x1] =	wrdreg $0xFFFFFFFF  }
0x3f: {  	_ =	task.clear_ibuf [dreg:s7], $0x2FFFF;
	_ =	strace $0x9FFFFFFF  }
0x40: {  	(tm) =	ssettm $0x7FFFFFFF  }
0x41: {  	_ =	shalt  }
tec
execute0_lowered:
.L_overlay_start_1:
0x0: {  	(tag) =	ssettag $0x1  }
0x1: {  	s4 =	rddreg [dreg:$0x0]  }
0x2: {  	s0 =	srdreg.scid;
	s2 =	rddreg [dreg:$0x1]  }
0x3: {  	s1 =	stileid.u32;
	s5 =	simm.s32 $0x1;
	s0 =	sshll.u32 s0, $0x4  }
0x4: {  	s7 =	simm.s32 $0x2;
	s12 =	simm.s32 $0x0;
	s3 =	sand.u32 $0x10, s0  }
.Ltmp0:
0x5: {  	s8 =	simm.s32 $0xC3800;
	s3 =	sor.u32 s1, s3;
	(pc) =	sbr.rel .LBB1_1-.Ltmp0, $4  }
0x6: {  	s10 =	simm.s32 $0x0;
	s11 =	simm.s32 $0x0;
	s3 =	sshll.u32 s3, $0x7  }
0x7: {  	s0 =	rddreg [dreg:$0x2];
	_ =	strace $0x8000004D;
	s6 =	ssub.s32 $0x18680, s3  }
0x8: {  	s4 =	sadd.s32 $0x34E800, s4;
	[sflag:s5] =	ssyncpa.u1 $0x0;
	s6 =	sshrl.u32 s6, $0xC  }
0x9: {  	[sflag:s7] =	ssyncpa.u1 $0x0;
	s9 =	smov.u32 s3;
	s7 =	sadd.s32 $0x2, s6  }
.LBB1_5:
0xa: {  	[tilespmem:s23+$0x0 ss:$0x81] =	vst.msk $0xffff, v4;
	s15 =	sadd.s32 s18, s20  }
0xb: {  	s16 =	sadd.s32 s18, s21;
	[tilespmem:s15+$0x0 ss:$0x81] =	vst.msk $0xffff, v2  }
0xc: {  	s31 =	sadd.s32 s18, s22;
	[tilespmem:s16+$0x0 ss:$0x81] =	vst.msk $0xffff, v1  }
0xd: {  	[tilespmem:s31+$0x0 ss:$0x81] =	vst.msk $0xffff, v3  }
.LBB1_6:
0xe: {  	s15 =	sshll.u32 s10, $0x3  }
0xf: {  	s15 =	sand.u32 $0xFFFFFC00, s15  }
0x10: {  	s17 =	smulhi.u32 $0xA79C7B17, s15;
	_ =	sdelay $0x1  }
0x11: {  	s16 =	sand.u32 $0x7F, s10;
	s17 =	sshrl.u32 s17, $0x10  }
0x12: {  	s15 =	sor.u32 s16, s15;
	s18 =	smul.u32 $0x4EC5, s17  }
0x13: {  	p0 =	sgt.s32 s10, $0x18680;
	s19 =	smov.u32 s10;
	s16 =	smulhi.u32 $0xA79C7B17, s15  }
0x14: {  	s19 =	simm.s32 @!p0 $0x18680;
	s18 =	sshrl.u32 s18, $0x15  }
0x15: {  	s13 =	sadd.s32 s13, s19;
	s16 =	sshrl.u32 s16, $0x10;
	s18 =	smul.u32 $0x68, s18  }
0x16: {  	s30 =	sadd.s32 $0xFFFE7980, s13;
	s16 =	smul.u32 $0x18700, s16  }
0x17: {  	s13 =	ssub.s32 $0x18700, s13;
	p0 =	sgt.s32 s30, $0x7F;
	s29 =	ssub.s32 s17, s18  }
0x18: {  	s13 =	smul.u32 $0x1A0, s13;
	s15 =	ssub.s32 s15, s16;
	s16 =	sand.u32 $0xFFFF, s29  }
0x19: {  	s31 =	sshrl.u32 s15, $0x3;
	s15 =	sand.u32 $0x7, s15;
	s16 =	smul.u32 $0x30E0, s16  }
0x1a: {  	s13 =	sshrl.u32 s13, $0x2;
	s17 =	sadd.s32 s2, s31;
	s15 =	sshll.u32 s15, $0x12  }
0x1b: {  	s13 =	simm.s32 @p0 $0x0;
	s15 =	sor.u32 $0x400, s15;
	s16 =	sadd.s32 s16, s17  }
0x1c: {  	[hbm4b:s16+s15] =	stream.strided.scatter [tilespmem:s14], [sflag:$0x2], s13, s8, s15, $0x20;
	[tilespmem:$0x10100] =	vst v63  }
.LBB1_7:
0x1d: {  	p0 =	slt.u32 s11, $0x2  }
0x1e: {  	p1 =	sgt.s32 @!p0 s12, $0x18680  }
0x1f: {  	s13 =	smov.u32 s12;
	s14 =	sshra.s32 @!p0 s12, $0x1F;
	p1 =	por !p1, p0  }
0x20: {  	s12 =	sand.u32 @!p0 s14, s12;
	s13 =	simm.s32 @p1 $0x18680  }
0x21: {  	s12 =	ssub.s32 @!p0 s13, s12  }
0x22: {  	s13 =	ssub.s32 @!p0 $0x18700, s12  }
0x23: {  	s12 =	sadd.s32 @!p0 $0xFFFE7980, s12;
	s13 =	smul.u32 @!p0 $0x1A0, s13  }
0x24: {  	p1 =	sgt.s32 @!p0 s12, $0x7F  }
0x25: {  	s14 =	sadd.s32 $0x1000, s9;
	p1 =	por !p1, p0;
	s12 =	sshrl.u32 @!p0 s13, $0x2  }
0x26: {  	s12 =	simm.s32 @!p1 $0x0;
	p1 =	sgt.s32 s14, $0x1869F  }
0x27: {  	s14 =	smov.u32 @p1 s3;
	p1 =	sne.s32 s11, s7  }
.Ltmp1:
0x28: {  	_ = 	snop;
	(pc) =	sbr.rel @!p1 .LBB1_8-.Ltmp1, $4  }
0x29: {  	s13 =	simm.s32 @!p0 $0x2  }
0x2a: {  	_ =	swait.ge @!p0 [sflag:s13], s12;
	s15 =	ssub.s32 @!p0 $0x0, s12  }
0x2b: {  	s12 =	smov.u32 s10;
	s11 =	sadd.s32 $0x1, s11;
	[sflag:s13] =	ssyncset.done @!p0 $0x0  }
0x2c: {  	s10 =	smov.u32 s9;
	s9 =	smov.u32 s14;
	[sflag:s13] =	ssyncadd.s32 @!p0 s15  }
.LBB1_1:
0x2d: {  	p0 =	sgt.u32 s11, s6  }
0x2e: {  	s13 =	sand.u32 @!p0 $0x1FFFFFF, s9  }
0x2f: {  	p1 =	sgt.s32 @!p0 s9, $0x18620;
	s14 =	smulhi.u32 @!p0 $0x14F8B59, s13  }
0x30: {  	s15 =	smov.u32 s9;
	s16 =	sshra.s32 @!p0 s9, $0x1F;
	p1 =	por !p1, p0  }
0x31: {  	s16 =	sand.u32 @!p0 s16, s9;
	s15 =	simm.s32 @p1 $0x18620;
	s14 =	sshrl.u32 @!p0 s14, $0x9  }
0x32: {  	s15 =	ssub.s32 @!p0 s15, s16;
	s14 =	smul.u32 @!p0 $0x186A0, s14  }
0x33: {  	s16 =	sxor.u32 @!p0 $0xFFFFFFFF, s11;
	s15 =	sadd.s32 @!p0 $0xFFFE79E0, s15  }
0x34: {  	s16 =	sshll.u32 @!p0 s16, $0xE;
	s13 =	ssub.s32 @!p0 s13, s14;
	s14 =	sshll.u32 @!p0 s15, $0x9  }
0x35: {  	s16 =	sand.u32 @!p0 $0x4000, s16;
	p1 =	sgt.s32 @!p0 s15, $0x7F;
	s14 =	ssub.s32 @!p0 $0x10000, s14  }
0x36: {  	p1 =	por !p1, p0;
	s13 =	sshll.u32 @!p0 s13, $0x4;
	s14 =	sshrl.u32 @!p0 s14, $0x2  }
0x37: {  	s15 =	simm.s32 @!p0 $0x0;
	s13 =	sadd.s32 @!p0 s4, s13;
	s14 =	simm.s32 @!p1 $0x0  }
0x38: {  	[tilespmem:s16], [sflag:$0x1] =	stream.linear.gather @!p0 [hbm4b:s13+s15], s14, $0x38;
	[tilespmem:$0x10100] =	vst v63  }
0x39: {  	p0 =	seq.s32 s11, $0x0  }
0x3a: {  	p1 =	sge.u32 @!p0 s11, s7  }
0x3b: {  	p0 =	por p0, p1  }
.Ltmp2:
0x3c: {  	_ = 	snop;
	(pc) =	sbr.rel @p0 .LBB1_7-.Ltmp2, $1  }
0x3d: {  	_ =	sdelay $0x3  }
0x3e: {  	s13 =	ssub.s32 $0x0, s10  }
0x3f: {  	s14 =	sshra.s32 s10, $0x1F;
	p0 =	sgt.s32 s10, $0x18620;
	s15 =	smov.u32 s10  }
0x40: {  	s13 =	sand.u32 s13, s14;
	s15 =	simm.s32 @!p0 $0x18620  }
0x41: {  	s14 =	sadd.s32 s13, s15  }
0x42: {  	s17 =	sadd.s32 $0x80, s10;
	s14 =	sadd.s32 $0xFFFE79E0, s14  }
0x43: {  	p1 =	slt.s32 s17, $0x186A0;
	s31 =	sshll.u32 s14, $0x9  }
0x44: {  	s17 =	simm.s32 @!p1 $0x186A0;
	s15 =	ssub.s32 $0x10000, s31  }
0x45: {  	p0 =	sgt.s32 s14, $0x7F;
	s14 =	sshrl.u32 s15, $0x2;
	s15 =	ssub.s32 s17, s10  }
0x46: {  	s14 =	simm.s32 @p0 $0x0;
	p0 =	slt.s32 s15, $0x1  }
.Ltmp3:
0x47: {  	_ = 	snop;
	(pc) =	sbr.rel @p0 .LBB1_6-.Ltmp3, $4  }
0x48: {  	s16 =	sand.u32 $0x1, s11  }
0x49: {  	s18 =	smul.u32 $0x4080, s16;
	_ =	swait.ge [sflag:s5], s14  }
0x4a: {  	s14 =	ssub.s32 $0x0, s14;
	[sflag:s5] =	ssyncset.done $0x0  }
0x4b: {  	[sflag:s5] =	ssyncadd.s32 s14;
	s14 =	sor.u32 $0x8000, s18  }
0x4c: {  	s18 =	sshll.u32 s16, $0xE;
	s19 =	simm.s32 $0x0  }
0x4d: {  	s20 =	simm.s32 $0x10;
	s21 =	simm.s32 $0x20;
	s19 =	sand.u32 $0x78, s19  }
0x4e: {  	s20 =	sand.u32 $0x78, s20;
	s31 =	sxor.u32 $0x40, s19;
	s19 =	smul.u32 $0x204, s19  }
0x4f: {  	s23 =	simm.s32 $0x30;
	v0 =	vmov s18;
	s21 =	sand.u32 $0x78, s21;
	s20 =	smul.u32 $0x204, s20  }
0x50: {  	s24 =	simm.s32 $0x50;
	s23 =	sand.u32 $0x78, s23;
	s21 =	smul.u32 $0x204, s21  }
0x51: {  	s25 =	simm.s32 $0x60;
	s24 =	sand.u32 $0x78, s24;
	s23 =	smul.u32 $0x204, s23  }
0x52: {  	s16 =	simm.s32 $0x0;
	s25 =	sand.u32 $0x78, s25;
	s24 =	smul.u32 $0x204, s24  }
0x53: {  	s22 =	sand.u32 $0x3F80, s16;
	s30 =	smul.u32 $0x204, s25  }
0x54: {  	s17 =	simm.s32 $0x1;
	p0 =	sne.s32 s15, $0x1;
	s18 =	smul.u32 $0x204, s31;
	v1 =	vld.idx.msk [tilespmem:v0+s22+$0x40 ss:$0x1], $0xffff  }
0x55: {  	s19 =	sshrl.u32 s19, $0x2;
	s20 =	sshrl.u32 s20, $0x2;
	s21 =	sshrl.u32 s21, $0x2;
	v3 =	vld.idx.msk [tilespmem:v0+s22+$0x0 ss:$0x1], $0xffff  }
0x56: {  	s29 =	sshrl.u32 s23, $0x2;
	s25 =	sshrl.u32 s30, $0x2;
	s26 =	sshrl.u32 s18, $0x2;
	v5 =	vld.idx.msk [tilespmem:v0+s22+$0x10 ss:$0x1], $0xffff  }
.Ltmp4:
0x57: {  	s18 =	sand.u32 $0x7F, s16;
	s26 =	sadd.s32 s26, s14;
	v4 =	vld.idx.msk [tilespmem:v0+s22+$0x20 ss:$0x1], $0xffff;
	(pc) =	sbr.rel @!p0 .LBB1_5-.Ltmp4, $4  }
0x58: {  	s19 =	sadd.s32 s19, s14;
	s27 =	sadd.s32 s20, s14;
	v2 =	vld.idx.msk [tilespmem:v0+s22+$0x30 ss:$0x1], $0xffff;
	s26 =	sadd.s32 s18, s26  }
0x59: {  	s28 =	sadd.s32 s21, s14;
	s21 =	sshrl.u32 s24, $0x2;
	s19 =	sadd.s32 s18, s19;
	[tilespmem:s26+$0x0 ss:$0x81] =	vst.msk $0xffff, v1;
	v1 =	vld.idx.msk [tilespmem:v0+s22+$0x50 ss:$0x1], $0xffff  }
0x5a: {  	s20 =	sadd.s32 s29, s14;
	s31 =	sadd.s32 s18, s27;
	s21 =	sadd.s32 s21, s14;
	[tilespmem:s19+$0x0 ss:$0x81] =	vst.msk $0xffff, v3;
	v3 =	vld.idx.msk [tilespmem:v0+s22+$0x60 ss:$0x1], $0xffff  }
0x5b: {  	s23 =	sadd.s32 s18, s28;
	[tilespmem:s31+$0x0 ss:$0x81] =	vst.msk $0xffff, v5;
	s22 =	sadd.s32 s25, s14;
	s19 =	simm.s32 $0x3008  }
.LBB1_4:
0x5c: {  	s24 =	sadd.s32 $0xFFFFD000, s19  }
0x5d: {  	s25 =	sadd.s32 $0xFFFFD800, s19;
	[tilespmem:s23+$0x0 ss:$0x81] =	vst.msk $0xffff, v4;
	s23 =	smov.u32 s17;
	s17 =	sadd.s32 $0x1, s17  }
0x5e: {  	s16 =	sadd.s32 $0x80, s16;
	s24 =	sshrl.u32 s24, $0x7;
	p0 =	sne.s32 s15, s17  }
0x5f: {  	s27 =	sadd.s32 $0xFFFFE000, s19;
	s26 =	sand.u32 $0x3F80, s16;
	s24 =	sand.u32 $0x78, s24  }
0x60: {  	s28 =	sadd.s32 $0xFFFFE800, s19;
	s30 =	sadd.s32 $0xFFFFF800, s19;
	v5 =	vld.idx.msk [tilespmem:v0+s26+$0x40 ss:$0x1], $0xffff;
	s29 =	sxor.u32 $0x40, s24  }
0x61: {  	s25 =	sshrl.u32 s25, $0x7;
	s27 =	sshrl.u32 s27, $0x7;
	v6 =	vld.idx.msk [tilespmem:v0+s26+$0x0 ss:$0x1], $0xffff;
	s29 =	smul.u32 $0x204, s29  }
0x62: {  	s31 =	sshrl.u32 s19, $0x7;
	s28 =	sshrl.u32 s28, $0x7;
	s30 =	sshrl.u32 s30, $0x7;
	v7 =	vld.idx.msk [tilespmem:v0+s26+$0x10 ss:$0x1], $0xffff  }
0x63: {  	s25 =	sand.u32 $0x78, s25;
	s27 =	sand.u32 $0x78, s27;
	v4 =	vld.idx.msk [tilespmem:v0+s26+$0x20 ss:$0x1], $0xffff;
	s29 =	sshrl.u32 s29, $0x2  }
0x64: {  	s23 =	sand.u32 $0x7F, s23;
	s28 =	sand.u32 $0x78, s28;
	v8 =	vld.idx.msk [tilespmem:v0+s26+$0x30 ss:$0x1], $0xffff;
	s29 =	sadd.s32 s29, s14  }
0x65: {  	s31 =	sand.u32 $0x78, s31;
	s30 =	sand.u32 $0x78, s30;
	s29 =	sadd.s32 s23, s29;
	v9 =	vld.idx.msk [tilespmem:v0+s26+$0x50 ss:$0x1], $0xffff  }
0x66: {  	s20 =	sadd.s32 s18, s20;
	s21 =	sadd.s32 s18, s21;
	s24 =	smul.u32 $0x204, s24;
	[tilespmem:s29+$0x0 ss:$0x81] =	vst.msk $0xffff, v5;
	v5 =	vld.idx.msk [tilespmem:v0+s26+$0x60 ss:$0x1], $0xffff  }
0x67: {  	s25 =	smul.u32 $0x204, s25;
	[tilespmem:s20+$0x0 ss:$0x81] =	vst.msk $0xffff, v2;
	s20 =	sadd.s32 s18, s22  }
0x68: {  	s18 =	smov.u32 s23;
	s22 =	sshrl.u32 s24, $0x2;
	s23 =	smul.u32 $0x204, s27  }
0x69: {  	s24 =	smul.u32 $0x204, s28;
	[tilespmem:s21+$0x0 ss:$0x81] =	vst.msk $0xffff, v1;
	s21 =	sadd.s32 s22, s14  }
0x6a: {  	s22 =	sshrl.u32 s25, $0x2;
	[tilespmem:s20+$0x0 ss:$0x81] =	vst.msk $0xffff, v3;
	s20 =	sshrl.u32 s23, $0x2;
	s23 =	smul.u32 $0x204, s30  }
.Ltmp5:
0x6b: {  	s22 =	sadd.s32 s22, s14;
	(pc) =	sbr.rel @p0 .LBB1_4-.Ltmp5, $4  }
0x6c: {  	v2 =	vmov v8;
	s25 =	sadd.s32 s20, s14;
	s20 =	sshrl.u32 s24, $0x2;
	s24 =	smul.u32 $0x204, s31;
	v1 =	vmov v9  }
0x6d: {  	s21 =	sadd.s32 s18, s21;
	s20 =	sadd.s32 s20, s14;
	s23 =	sshrl.u32 s23, $0x2;
	v3 =	vmov v5  }
0x6e: {  	s22 =	sadd.s32 s18, s22;
	s24 =	sshrl.u32 s24, $0x2;
	[tilespmem:s21+$0x0 ss:$0x81] =	vst.msk $0xffff, v6;
	s21 =	sadd.s32 s23, s14  }
0x6f: {  	s19 =	sadd.s32 $0x8, s19;
	s23 =	sadd.s32 s18, s25;
	[tilespmem:s22+$0x0 ss:$0x81] =	vst.msk $0xffff, v7;
	s22 =	sadd.s32 s24, s14  }
.Ltmp6:
0x70: {  	_ = 	snop;
	(pc) =	sbr.rel .LBB1_5-.Ltmp6, $1  }
0x71: {  	_ =	sdelay $0x3  }
.LBB1_8:
0x72: {  	_ =	sfence.sel $0x180000  }
0x73: {  	s2 =	simm.s32 $0x1;
	[bflag:$0x0] =	sbarrier.arrive $0xFFFF  }
0x74: {  	s31 =	simm.s32 $0x2;
	[sflag:s2] =	ssyncpa.u1 $0x1  }
0x75: {  	[sflag:s31] =	ssyncpa.u1 $0x1  }
0x76: {  	p0 =	sne.s32 s1, $0x0;
	_ =	strace $0x9000004D  }
0x77: {  	s0 =	sadd.s32 @!p0 $0x100000, s0;
	[bflag:$0x2] =	sbarrier.arrive $0xFFFF  }
0x78: {  	[sflag:s0] =	ssyncadd.tile.s32 @!p0 $0x1;
	_ =	shalt  }
.Lfunc_end1:
_tile_overlayer_lowered:
.L_overlay_start_2:
0x79: {  	(tag) =	ssettag $0x2  }
0x7a: {  	s0 =	rddreg [dreg:$0x0];
	s2 =	stileid.u32  }
0x7b: {  	s1 =	rddreg [dreg:$0x1];
	p0 =	sne.s32 s2, $0x0  }
0x7c: {  	s3 =	rddreg [dreg:$0x2];
	[bflag:$0x3] =	sbarrier.arrive $0xFFFF;
	s2 =	simm.s32 @!p0 $0x1C01  }
0x7d: {  	[timem:s3], [sflag:s2] =	dma.local @!p0 [hbm:s0], s1  }
0x7e: {  	s0 =	simm.s32 @!p0 $0x1  }
0x7f: {  	_ =	swait.ge @!p0 [sflag:s0], s1  }
0x80: {  	s1 =	ssub.s32 @!p0 $0x0, s1;
	[sflag:s0] =	ssyncset.done @!p0 $0x0  }
0x81: {  	[sflag:s0] =	ssyncadd.s32 @!p0 s1  }
0x82: {  	[bflag:$0x3] =	sbarrier.arrive $0xFFFF  }
0x83: {  	_ =	shalt  }

</sc_bundles>
